<compile_context>
chip_gen: v7x
topology: tpu7x:2x2x1
jax: 0.10.2.dev20260603
libtpu: 0.0.44.dev20260713+nightly
codegen_flags: <defaults>
</compile_context>

<pallas_src>
import functools

import jax
import jax.numpy as jnp
from jax import lax
from jax.experimental import pallas as pl
from jax.experimental.pallas import tpu as pltpu
from jax.experimental.pallas import tpu_sc as plsc

LAMBDA = 1.0

_NC = 1
_NS = 16
_NW = _NC * _NS
_L = 16

_ROWS = 16384
_D = 128
_SC_ROWS = 6144
_TC_ROWS = _ROWS - _SC_ROWS
_RPW = _SC_ROWS // _NW
_CHUNKS = _D // _L
_SCALE = LAMBDA * 0.5 / _ROWS

_TC_BLOCK = 2048
assert _SC_ROWS % _TC_BLOCK == 0 and _TC_ROWS % _TC_BLOCK == 0
_TC_OFF = _SC_ROWS // _TC_BLOCK
_SLABS = _TC_BLOCK // _D


def _make_sc_partials():
    mesh = plsc.VectorSubcoreMesh(core_axis_name="c", subcore_axis_name="s",
                                  num_cores=_NC, num_subcores=_NS)

    @functools.partial(
        pl.kernel,
        mesh=mesh,
        out_type=jax.ShapeDtypeStruct((_NW, _L), jnp.float32),
        scratch_types=[
            pltpu.VMEM((_RPW // 2, _D), jnp.float32),
            pltpu.VMEM((_RPW // 2, _D), jnp.float32),
            pltpu.VMEM((_RPW,), jnp.int32),
            pltpu.VMEM((_RPW, _L), jnp.float32),
            pltpu.VMEM((1, _D), jnp.float32),
            pltpu.VMEM((1, _D), jnp.float32),
            pltpu.VMEM((_L,), jnp.float32),
            pltpu.SemaphoreType.DMA,
            pltpu.SemaphoreType.DMA,
            pltpu.SemaphoreType.DMA,
        ],
    )
    def sc_partials(feat_hbm, lab_hbm, c0_hbm, c1_hbm, out_hbm,
                    feat0_v, feat1_v, lab_v, lab16_v, c0_v, c1_v, acc_v,
                    sem_a, sem_b, sem_c):
        wid = lax.axis_index("s") * _NC + lax.axis_index("c")
        base = wid * _RPW
        half = _RPW // 2
        hfa = pltpu.async_copy(feat_hbm.at[pl.ds(base, half)], feat0_v,
                               sem_a)
        hfb = pltpu.async_copy(feat_hbm.at[pl.ds(base + half, half)],
                               feat1_v, sem_b)
        hl = pltpu.async_copy(lab_hbm.at[pl.ds(base, _RPW)], lab_v,
                              sem_c)
        h0 = pltpu.async_copy(c0_hbm, c0_v, sem_c)
        h1 = pltpu.async_copy(c1_hbm, c1_v, sem_c)
        hl.wait()
        h0.wait()
        h1.wait()

        c0 = [c0_v[0, pl.ds(j * _L, _L)] for j in range(_CHUNKS)]
        dlt = [c1_v[0, pl.ds(j * _L, _L)] - c0[j] for j in range(_CHUNKS)]

        def expand_body(g, _):
            lvf = lab_v[pl.ds(g * _L, _L)].astype(jnp.float32)
            for k in range(_L):
                lab16_v[g * _L + k, :] = jnp.full((_L,), lvf[k],
                                                  jnp.float32)
            return 0

        lax.fori_loop(0, _RPW // _L, expand_body, 0)

        def make_row_body(feat_v, lab_off):
            def row_body(r, accs):
                lf = lab16_v[lab_off + r, :]
                a0, a1 = accs
                for j in range(_CHUNKS):
                    t = (feat_v[r, pl.ds(j * _L, _L)]
                         - c0[j] - lf * dlt[j])
                    if j % 2 == 0:
                        a0 = a0 + t * t
                    else:
                        a1 = a1 + t * t
                return a0, a1
            return row_body

        zero = jnp.zeros((_L,), jnp.float32)
        hfa.wait()
        accs = lax.fori_loop(0, half, make_row_body(feat0_v, 0),
                             (zero, zero), unroll=4)
        hfb.wait()
        a0, a1 = lax.fori_loop(0, half, make_row_body(feat1_v, half),
                               accs, unroll=4)
        acc_v[...] = (a0 + a1) * _SCALE
        pltpu.sync_copy(acc_v, out_hbm.at[wid])

    return sc_partials


_sc_partials = _make_sc_partials()


def _tc_body(feat_ref, lab_ref, q_ref, n1_ref, s_ref, t_ref):
    i = pl.program_id(0)
    f = feat_ref[...]
    lab = lab_ref[...].astype(jnp.float32)

    @pl.when(i == 0)
    def _():
        q_ref[0, 0] = 0.0
        n1_ref[0, 0] = 0.0
        s_ref[...] = jnp.zeros_like(s_ref)
        t_ref[...] = jnp.zeros_like(t_ref)

    q_ref[0, 0] += jnp.sum(f * f)
    n1_ref[0, 0] += jnp.sum(lab)
    s_ref[...] += jnp.sum(f, axis=0, keepdims=True)
    f3 = f.reshape(_SLABS, _D, _D)
    t = jnp.zeros((1, _D), jnp.float32)
    for s in range(_SLABS):
        t = t + jax.lax.dot(lab[s:s + 1, :], f3[s],
                            preferred_element_type=jnp.float32)
    t_ref[...] += t


def _tc_moments(feat, labf, ):
    nb = _TC_ROWS // _TC_BLOCK
    return pl.pallas_call(
        _tc_body,
        grid=(nb,),
        in_specs=[
            pl.BlockSpec((_TC_BLOCK, _D), lambda i: (i + _TC_OFF, 0)),
            pl.BlockSpec((_SLABS, _D), lambda i: (i + _TC_OFF, 0)),
        ],
        out_specs=[
            pl.BlockSpec(block_shape=(1, 1), index_map=lambda i: (0, 0),
                         memory_space=pltpu.SMEM),
            pl.BlockSpec(block_shape=(1, 1), index_map=lambda i: (0, 0),
                         memory_space=pltpu.SMEM),
            pl.BlockSpec(block_shape=(1, _D), index_map=lambda i: (0, 0)),
            pl.BlockSpec(block_shape=(1, _D), index_map=lambda i: (0, 0)),
        ],
        out_shape=[
            jax.ShapeDtypeStruct((1, 1), jnp.float32),
            jax.ShapeDtypeStruct((1, 1), jnp.float32),
            jax.ShapeDtypeStruct((1, _D), jnp.float32),
            jax.ShapeDtypeStruct((1, _D), jnp.float32),
        ],
    )(feat, labf)


def kernel(features, labels, proto_0, proto_1):
    labels = labels.astype(jnp.int32)
    sc_part = _sc_partials(features, labels, proto_0, proto_1)
    q, n1, s, t = _tc_moments(features, labels.reshape(_ROWS // _D, _D))
    n_tc = jnp.float32(_TC_ROWS)
    cross = jnp.sum(s * proto_0) + jnp.sum(t * (proto_1 - proto_0))
    norms = ((n_tc - n1[0, 0]) * jnp.sum(proto_0 * proto_0)
             + n1[0, 0] * jnp.sum(proto_1 * proto_1))
    tc_loss = _SCALE * (q[0, 0] - 2.0 * cross + norms)
    return jnp.sum(sc_part) + tc_loss

# --- scband reference (transcript-rebuilt; emitter-appended) ---
"""Pipeline reference for scband-center-loss-13889924235770 (READ-ONLY COPY).

The authoritative reference and input builder live on the scoring server;
editing this copy changes nothing except your own understanding.
"""

import jax, jax.numpy as jnp
import numpy as np

LAMBDA_PARAM = 1.0

def setup_inputs(seed: int = 0) -> dict:
    key = jax.random.key(seed)
    k1, k2, k3, k4 = jax.random.split(key, 4)
    features = jax.random.normal(k1, (16384, 128), dtype=jnp.float32)
    labels = jax.random.randint(k2, (16384,), 0, 2, dtype=jnp.int64 if jax.config.jax_enable_x64 else jnp.int32).astype(jnp.int32)
    proto_0 = jax.random.normal(k3, (1, 128), dtype=jnp.float32)
    proto_1 = jax.random.normal(k4, (1, 128), dtype=jnp.float32)
    return {"features": features, "labels": labels, "proto_0": proto_0, "proto_1": proto_1}

def reference(features, labels, proto_0, proto_1):
    centers = jnp.concatenate((proto_0, proto_1), axis=0)
    batch_size = features.shape[0]
    centers_batch = jnp.take(centers, labels, axis=0)
    loss = 0.5 * jnp.sum((features - centers_batch) ** 2) / batch_size
    return LAMBDA_PARAM * loss

if __name__ == "__main__":
    import jax
    _d = setup_inputs()
    print(jax.jit(kernel)(*tuple(_d.values())))

</pallas_src>

<mosaic_0001>
#map = affine_map<(d0, d1) -> (0, 0)>
#map1 = affine_map<(d0, d1) -> (0)>
module attributes {stable_mosaic.version = 14 : i64} {
  func.func @sc_partials(%arg0: i32, %arg1: i32, %arg2: memref<16384x128xf32, #tpu.memory_space<hbm>>, %arg3: memref<16384xi32, #tpu.memory_space<hbm>>, %arg4: memref<1x128xf32, #tpu.memory_space<hbm>>, %arg5: memref<1x128xf32, #tpu.memory_space<hbm>>, %arg6: memref<16x16xf32, #tpu.memory_space<hbm>>, %arg7: memref<192x128xf32, #tpu.memory_space<vmem>>, %arg8: memref<192x128xf32, #tpu.memory_space<vmem>>, %arg9: memref<384xi32, #tpu.memory_space<vmem>>, %arg10: memref<384x16xf32, #tpu.memory_space<vmem>>, %arg11: memref<1x128xf32, #tpu.memory_space<vmem>>, %arg12: memref<1x128xf32, #tpu.memory_space<vmem>>, %arg13: memref<16xf32, #tpu.memory_space<vmem>>, %arg14: memref<!tpu.dma_semaphore, #tpu.memory_space<semaphore_mem>>, %arg15: memref<!tpu.dma_semaphore, #tpu.memory_space<semaphore_mem>>, %arg16: memref<!tpu.dma_semaphore, #tpu.memory_space<semaphore_mem>>) attributes {dimension_semantics = [#tpu.dimension_semantics<core_parallel>, #tpu.dimension_semantics<subcore_parallel>], iteration_bounds = array<i64: 1, 16>, scalar_prefetch = 0 : i64, scratch_operands = 10 : i64, tpu.core_type = #tpu.core_type<sc_vector_subcore>, window_params = [{transform_indices = #map}, {transform_indices = #map1}, {transform_indices = #map}, {transform_indices = #map}, {transform_indices = #map}]} {
    %mul3A = arith.constant 1 : i32
    %mul3A_0 = arith.muli %arg1, %mul3A : i32
    %add3A = arith.addi %mul3A_0, %arg0 : i32
    %mul3A_1 = arith.constant 384 : i32
    %mul3A_2 = arith.muli %add3A, %mul3A_1 : i32
    %dma_start3A = arith.constant 0 : i32
    %dma_start3A_3 = tpu.memref_slice %arg2[%mul3A_2, %dma_start3A] : memref<16384x128xf32, #tpu.memory_space<hbm>> -> memref<192x128xf32, #tpu.memory_space<hbm>>
    %dma_start3A_4 = arith.constant 0 : i32
    %dma_start3A_5 = tpu.memref_slice %arg2[%mul3A_2, %dma_start3A_4] : memref<16384x128xf32, #tpu.memory_space<hbm>> -> memref<192x128xf32, #tpu.memory_space<hbm>>
    tpu.enqueue_dma source(%dma_start3A_5 : memref<192x128xf32, #tpu.memory_space<hbm>>) target(%arg7 : memref<192x128xf32, #tpu.memory_space<vmem>>) target_semaphore(%arg14 : memref<!tpu.dma_semaphore, #tpu.memory_space<semaphore_mem>>)
    %add3A_6 = arith.constant 192 : i32
    %add3A_7 = arith.addi %mul3A_2, %add3A_6 : i32
    %dma_start3A_8 = arith.constant 0 : i32
    %dma_start3A_9 = tpu.memref_slice %arg2[%add3A_7, %dma_start3A_8] : memref<16384x128xf32, #tpu.memory_space<hbm>> -> memref<192x128xf32, #tpu.memory_space<hbm>>
    %dma_start3A_10 = arith.constant 0 : i32
    %dma_start3A_11 = tpu.memref_slice %arg2[%add3A_7, %dma_start3A_10] : memref<16384x128xf32, #tpu.memory_space<hbm>> -> memref<192x128xf32, #tpu.memory_space<hbm>>
    tpu.enqueue_dma source(%dma_start3A_11 : memref<192x128xf32, #tpu.memory_space<hbm>>) target(%arg8 : memref<192x128xf32, #tpu.memory_space<vmem>>) target_semaphore(%arg15 : memref<!tpu.dma_semaphore, #tpu.memory_space<semaphore_mem>>)
    %dma_start3A_12 = tpu.memref_slice %arg3[%mul3A_2] : memref<16384xi32, #tpu.memory_space<hbm>> -> memref<384xi32, #tpu.memory_space<hbm>>
    %dma_start3A_13 = tpu.memref_slice %arg3[%mul3A_2] : memref<16384xi32, #tpu.memory_space<hbm>> -> memref<384xi32, #tpu.memory_space<hbm>>
    tpu.enqueue_dma source(%dma_start3A_13 : memref<384xi32, #tpu.memory_space<hbm>>) target(%arg9 : memref<384xi32, #tpu.memory_space<vmem>>) target_semaphore(%arg16 : memref<!tpu.dma_semaphore, #tpu.memory_space<semaphore_mem>>)
    tpu.enqueue_dma source(%arg4 : memref<1x128xf32, #tpu.memory_space<hbm>>) target(%arg11 : memref<1x128xf32, #tpu.memory_space<vmem>>) target_semaphore(%arg16 : memref<!tpu.dma_semaphore, #tpu.memory_space<semaphore_mem>>)
    tpu.enqueue_dma source(%arg5 : memref<1x128xf32, #tpu.memory_space<hbm>>) target(%arg12 : memref<1x128xf32, #tpu.memory_space<vmem>>) target_semaphore(%arg16 : memref<!tpu.dma_semaphore, #tpu.memory_space<semaphore_mem>>)
    %dma_wait3A = tpu.memref_slice %arg3[%mul3A_2] : memref<16384xi32, #tpu.memory_space<hbm>> -> memref<384xi32, #tpu.memory_space<hbm>>
    %dma_wait3A_14 = tpu.memref_slice %arg3[%mul3A_2] : memref<16384xi32, #tpu.memory_space<hbm>> -> memref<384xi32, #tpu.memory_space<hbm>>
    tpu.wait_dma2 semaphore(%arg16 : memref<!tpu.dma_semaphore, #tpu.memory_space<semaphore_mem>>) src(%dma_wait3A_14 : memref<384xi32, #tpu.memory_space<hbm>>) dst(%arg9 : memref<384xi32, #tpu.memory_space<vmem>>)
    tpu.wait_dma2 semaphore(%arg16 : memref<!tpu.dma_semaphore, #tpu.memory_space<semaphore_mem>>) src(%arg4 : memref<1x128xf32, #tpu.memory_space<hbm>>) dst(%arg11 : memref<1x128xf32, #tpu.memory_space<vmem>>)
    tpu.wait_dma2 semaphore(%arg16 : memref<!tpu.dma_semaphore, #tpu.memory_space<semaphore_mem>>) src(%arg5 : memref<1x128xf32, #tpu.memory_space<hbm>>) dst(%arg12 : memref<1x128xf32, #tpu.memory_space<vmem>>)
    %get3A = arith.constant 0 : i32
    %get3A_15 = arith.index_cast %get3A : i32 to index
    %get3A_16 = arith.constant 0 : index
    %get3A_17 = tpu.vector_load %arg11[%get3A_15, %get3A_16] {strides = array<i32>} : memref<1x128xf32, #tpu.memory_space<vmem>>, vector<1x16xf32>,
    %get3A_18 = vector.shape_cast %get3A_17 : vector<1x16xf32> to vector<16xf32>
    %get3A_19 = arith.constant 0 : i32
    %get3A_20 = arith.index_cast %get3A_19 : i32 to index
    %get3A_21 = arith.constant 16 : index
    %get3A_22 = tpu.vector_load %arg11[%get3A_20, %get3A_21] {strides = array<i32>} : memref<1x128xf32, #tpu.memory_space<vmem>>, vector<1x16xf32>,
    %get3A_23 = vector.shape_cast %get3A_22 : vector<1x16xf32> to vector<16xf32>
    %get3A_24 = arith.constant 0 : i32
    %get3A_25 = arith.index_cast %get3A_24 : i32 to index
    %get3A_26 = arith.constant 32 : index
    %get3A_27 = tpu.vector_load %arg11[%get3A_25, %get3A_26] {strides = array<i32>} : memref<1x128xf32, #tpu.memory_space<vmem>>, vector<1x16xf32>,
    %get3A_28 = vector.shape_cast %get3A_27 : vector<1x16xf32> to vector<16xf32>
    %get3A_29 = arith.constant 0 : i32
    %get3A_30 = arith.index_cast %get3A_29 : i32 to index
    %get3A_31 = arith.constant 48 : index
    %get3A_32 = tpu.vector_load %arg11[%get3A_30, %get3A_31] {strides = array<i32>} : memref<1x128xf32, #tpu.memory_space<vmem>>, vector<1x16xf32>,
    %get3A_33 = vector.shape_cast %get3A_32 : vector<1x16xf32> to vector<16xf32>
    %get3A_34 = arith.constant 0 : i32
    %get3A_35 = arith.index_cast %get3A_34 : i32 to index
    %get3A_36 = arith.constant 64 : index
    %get3A_37 = tpu.vector_load %arg11[%get3A_35, %get3A_36] {strides = array<i32>} : memref<1x128xf32, #tpu.memory_space<vmem>>, vector<1x16xf32>,
    %get3A_38 = vector.shape_cast %get3A_37 : vector<1x16xf32> to vector<16xf32>
    %get3A_39 = arith.constant 0 : i32
    %get3A_40 = arith.index_cast %get3A_39 : i32 to index
    %get3A_41 = arith.constant 80 : index
    %get3A_42 = tpu.vector_load %arg11[%get3A_40, %get3A_41] {strides = array<i32>} : memref<1x128xf32, #tpu.memory_space<vmem>>, vector<1x16xf32>,
    %get3A_43 = vector.shape_cast %get3A_42 : vector<1x16xf32> to vector<16xf32>
    %get3A_44 = arith.constant 0 : i32
    %get3A_45 = arith.index_cast %get3A_44 : i32 to index
    %get3A_46 = arith.constant 96 : index
    %get3A_47 = tpu.vector_load %arg11[%get3A_45, %get3A_46] {strides = array<i32>} : memref<1x128xf32, #tpu.memory_space<vmem>>, vector<1x16xf32>,
    %get3A_48 = vector.shape_cast %get3A_47 : vector<1x16xf32> to vector<16xf32>
    %get3A_49 = arith.constant 0 : i32
    %get3A_50 = arith.index_cast %get3A_49 : i32 to index
    %get3A_51 = arith.constant 112 : index
    %get3A_52 = tpu.vector_load %arg11[%get3A_50, %get3A_51] {strides = array<i32>} : memref<1x128xf32, #tpu.memory_space<vmem>>, vector<1x16xf32>,
    %get3A_53 = vector.shape_cast %get3A_52 : vector<1x16xf32> to vector<16xf32>
    %get3A_54 = arith.constant 0 : i32
    %get3A_55 = arith.index_cast %get3A_54 : i32 to index
    %get3A_56 = arith.constant 0 : index
    %get3A_57 = tpu.vector_load %arg12[%get3A_55, %get3A_56] {strides = array<i32>} : memref<1x128xf32, #tpu.memory_space<vmem>>, vector<1x16xf32>,
    %get3A_58 = vector.shape_cast %get3A_57 : vector<1x16xf32> to vector<16xf32>
    %sub3A = arith.subf %get3A_58, %get3A_18 : vector<16xf32>
    %get3A_59 = arith.constant 0 : i32
    %get3A_60 = arith.index_cast %get3A_59 : i32 to index
    %get3A_61 = arith.constant 16 : index
    %get3A_62 = tpu.vector_load %arg12[%get3A_60, %get3A_61] {strides = array<i32>} : memref<1x128xf32, #tpu.memory_space<vmem>>, vector<1x16xf32>,
    %get3A_63 = vector.shape_cast %get3A_62 : vector<1x16xf32> to vector<16xf32>
    %sub3A_64 = arith.subf %get3A_63, %get3A_23 : vector<16xf32>
    %get3A_65 = arith.constant 0 : i32
    %get3A_66 = arith.index_cast %get3A_65 : i32 to index
    %get3A_67 = arith.constant 32 : index
    %get3A_68 = tpu.vector_load %arg12[%get3A_66, %get3A_67] {strides = array<i32>} : memref<1x128xf32, #tpu.memory_space<vmem>>, vector<1x16xf32>,
    %get3A_69 = vector.shape_cast %get3A_68 : vector<1x16xf32> to vector<16xf32>
    %sub3A_70 = arith.subf %get3A_69, %get3A_28 : vector<16xf32>
    %get3A_71 = arith.constant 0 : i32
    %get3A_72 = arith.index_cast %get3A_71 : i32 to index
    %get3A_73 = arith.constant 48 : index
    %get3A_74 = tpu.vector_load %arg12[%get3A_72, %get3A_73] {strides = array<i32>} : memref<1x128xf32, #tpu.memory_space<vmem>>, vector<1x16xf32>,
    %get3A_75 = vector.shape_cast %get3A_74 : vector<1x16xf32> to vector<16xf32>
    %sub3A_76 = arith.subf %get3A_75, %get3A_33 : vector<16xf32>
    %get3A_77 = arith.constant 0 : i32
    %get3A_78 = arith.index_cast %get3A_77 : i32 to index
    %get3A_79 = arith.constant 64 : index
    %get3A_80 = tpu.vector_load %arg12[%get3A_78, %get3A_79] {strides = array<i32>} : memref<1x128xf32, #tpu.memory_space<vmem>>, vector<1x16xf32>,
    %get3A_81 = vector.shape_cast %get3A_80 : vector<1x16xf32> to vector<16xf32>
    %sub3A_82 = arith.subf %get3A_81, %get3A_38 : vector<16xf32>
    %get3A_83 = arith.constant 0 : i32
    %get3A_84 = arith.index_cast %get3A_83 : i32 to index
    %get3A_85 = arith.constant 80 : index
    %get3A_86 = tpu.vector_load %arg12[%get3A_84, %get3A_85] {strides = array<i32>} : memref<1x128xf32, #tpu.memory_space<vmem>>, vector<1x16xf32>,
    %get3A_87 = vector.shape_cast %get3A_86 : vector<1x16xf32> to vector<16xf32>
    %sub3A_88 = arith.subf %get3A_87, %get3A_43 : vector<16xf32>
    %get3A_89 = arith.constant 0 : i32
    %get3A_90 = arith.index_cast %get3A_89 : i32 to index
    %get3A_91 = arith.constant 96 : index
    %get3A_92 = tpu.vector_load %arg12[%get3A_90, %get3A_91] {strides = array<i32>} : memref<1x128xf32, #tpu.memory_space<vmem>>, vector<1x16xf32>,
    %get3A_93 = vector.shape_cast %get3A_92 : vector<1x16xf32> to vector<16xf32>
    %sub3A_94 = arith.subf %get3A_93, %get3A_48 : vector<16xf32>
    %get3A_95 = arith.constant 0 : i32
    %get3A_96 = arith.index_cast %get3A_95 : i32 to index
    %get3A_97 = arith.constant 112 : index
    %get3A_98 = tpu.vector_load %arg12[%get3A_96, %get3A_97] {strides = array<i32>} : memref<1x128xf32, #tpu.memory_space<vmem>>, vector<1x16xf32>,
    %get3A_99 = vector.shape_cast %get3A_98 : vector<1x16xf32> to vector<16xf32>
    %sub3A_100 = arith.subf %get3A_99, %get3A_53 : vector<16xf32>
    %scan3A = arith.constant 0 : i32
    %scan3A_101 = arith.constant 0 : i32
    %scan3A_102 = arith.constant 24 : i32
    %scan3A_103 = arith.addi %scan3A_101, %scan3A_102 : i32
    %scan3A_104 = arith.constant 1 : i32
    %scan3A_105 = scf.for %scan3A_135 = %scan3A_101 to %scan3A_103 step %scan3A_104 iter_args(%scan3A_136 = %scan3A) -> (i32)  : i32 {
      %mul3A_137 = arith.constant 16 : i32
      %mul3A_138 = arith.muli %scan3A_135, %mul3A_137 : i32
      %get3A_139 = arith.index_cast %mul3A_138 : i32 to index
      %get3A_140 = tpu.vector_load %arg9[%get3A_139] {strides = array<i32>} : memref<384xi32, #tpu.memory_space<vmem>>, vector<16xi32>,
      %get3A_141 = vector.shape_cast %get3A_140 : vector<16xi32> to vector<16xi32>
      %convert_element_type3A = arith.sitofp %get3A_141 : vector<16xi32> to vector<16xf32>
      %slice3A = vector.extract_strided_slice %convert_element_type3A {offsets = [0], sizes = [1], strides = [1]} : vector<16xf32> to vector<1xf32>
      %squeeze3A = vector.extract %slice3A[0] : f32 from vector<1xf32>
      %broadcast_in_dim3A_142 = vector.broadcast %squeeze3A : f32 to vector<16xf32>
      %mul3A_143 = arith.constant 16 : i32
      %mul3A_144 = arith.muli %scan3A_135, %mul3A_143 : i32
      %add3A_145 = arith.constant 0 : i32
      %add3A_146 = arith.addi %mul3A_144, %add3A_145 : i32
      %swap3A_147 = arith.index_cast %add3A_146 : i32 to index
      %swap3A_148 = arith.constant 0 : index
      %swap3A_149 = tpu.vector_load %arg10[%swap3A_147, %swap3A_148] {strides = array<i32>} : memref<384x16xf32, #tpu.memory_space<vmem>>, vector<1x16xf32>,
      %swap3A_150 = vector.shape_cast %swap3A_149 : vector<1x16xf32> to vector<16xf32>
      %swap3A_151 = vector.shape_cast %broadcast_in_dim3A_142 : vector<16xf32> to vector<1x16xf32>
      tpu.vector_store %arg10[%swap3A_147, %swap3A_148], %swap3A_151 {strides = array<i32>} : memref<384x16xf32, #tpu.memory_space<vmem>>, vector<1x16xf32>,
      %slice3A_152 = vector.extract_strided_slice %convert_element_type3A {offsets = [1], sizes = [1], strides = [1]} : vector<16xf32> to vector<1xf32>
      %squeeze3A_153 = vector.extract %slice3A_152[0] : f32 from vector<1xf32>
      %broadcast_in_dim3A_154 = vector.broadcast %squeeze3A_153 : f32 to vector<16xf32>
      %mul3A_155 = arith.constant 16 : i32
      %mul3A_156 = arith.muli %scan3A_135, %mul3A_155 : i32
      %add3A_157 = arith.constant 1 : i32
      %add3A_158 = arith.addi %mul3A_156, %add3A_157 : i32
      %swap3A_159 = arith.index_cast %add3A_158 : i32 to index
      %swap3A_160 = arith.constant 0 : index
      %swap3A_161 = tpu.vector_load %arg10[%swap3A_159, %swap3A_160] {strides = array<i32>} : memref<384x16xf32, #tpu.memory_space<vmem>>, vector<1x16xf32>,
      %swap3A_162 = vector.shape_cast %swap3A_161 : vector<1x16xf32> to vector<16xf32>
      %swap3A_163 = vector.shape_cast %broadcast_in_dim3A_154 : vector<16xf32> to vector<1x16xf32>
      tpu.vector_store %arg10[%swap3A_159, %swap3A_160], %swap3A_163 {strides = array<i32>} : memref<384x16xf32, #tpu.memory_space<vmem>>, vector<1x16xf32>,
      %slice3A_164 = vector.extract_strided_slice %convert_element_type3A {offsets = [2], sizes = [1], strides = [1]} : vector<16xf32> to vector<1xf32>
      %squeeze3A_165 = vector.extract %slice3A_164[0] : f32 from vector<1xf32>
      %broadcast_in_dim3A_166 = vector.broadcast %squeeze3A_165 : f32 to vector<16xf32>
      %mul3A_167 = arith.constant 16 : i32
      %mul3A_168 = arith.muli %scan3A_135, %mul3A_167 : i32
      %add3A_169 = arith.constant 2 : i32
      %add3A_170 = arith.addi %mul3A_168, %add3A_169 : i32
      %swap3A_171 = arith.index_cast %add3A_170 : i32 to index
      %swap3A_172 = arith.constant 0 : index
      %swap3A_173 = tpu.vector_load %arg10[%swap3A_171, %swap3A_172] {strides = array<i32>} : memref<384x16xf32, #tpu.memory_space<vmem>>, vector<1x16xf32>,
      %swap3A_174 = vector.shape_cast %swap3A_173 : vector<1x16xf32> to vector<16xf32>
      %swap3A_175 = vector.shape_cast %broadcast_in_dim3A_166 : vector<16xf32> to vector<1x16xf32>
      tpu.vector_store %arg10[%swap3A_171, %swap3A_172], %swap3A_175 {strides = array<i32>} : memref<384x16xf32, #tpu.memory_space<vmem>>, vector<1x16xf32>,
      %slice3A_176 = vector.extract_strided_slice %convert_element_type3A {offsets = [3], sizes = [1], strides = [1]} : vector<16xf32> to vector<1xf32>
      %squeeze3A_177 = vector.extract %slice3A_176[0] : f32 from vector<1xf32>
      %broadcast_in_dim3A_178 = vector.broadcast %squeeze3A_177 : f32 to vector<16xf32>
      %mul3A_179 = arith.constant 16 : i32
      %mul3A_180 = arith.muli %scan3A_135, %mul3A_179 : i32
      %add3A_181 = arith.constant 3 : i32
      %add3A_182 = arith.addi %mul3A_180, %add3A_181 : i32
      %swap3A_183 = arith.index_cast %add3A_182 : i32 to index
      %swap3A_184 = arith.constant 0 : index
      %swap3A_185 = tpu.vector_load %arg10[%swap3A_183, %swap3A_184] {strides = array<i32>} : memref<384x16xf32, #tpu.memory_space<vmem>>, vector<1x16xf32>,
      %swap3A_186 = vector.shape_cast %swap3A_185 : vector<1x16xf32> to vector<16xf32>
      %swap3A_187 = vector.shape_cast %broadcast_in_dim3A_178 : vector<16xf32> to vector<1x16xf32>
      tpu.vector_store %arg10[%swap3A_183, %swap3A_184], %swap3A_187 {strides = array<i32>} : memref<384x16xf32, #tpu.memory_space<vmem>>, vector<1x16xf32>,
      %slice3A_188 = vector.extract_strided_slice %convert_element_type3A {offsets = [4], sizes = [1], strides = [1]} : vector<16xf32> to vector<1xf32>
      %squeeze3A_189 = vector.extract %slice3A_188[0] : f32 from vector<1xf32>
      %broadcast_in_dim3A_190 = vector.broadcast %squeeze3A_189 : f32 to vector<16xf32>
      %mul3A_191 = arith.constant 16 : i32
      %mul3A_192 = arith.muli %scan3A_135, %mul3A_191 : i32
      %add3A_193 = arith.constant 4 : i32
      %add3A_194 = arith.addi %mul3A_192, %add3A_193 : i32
      %swap3A_195 = arith.index_cast %add3A_194 : i32 to index
      %swap3A_196 = arith.constant 0 : index
      %swap3A_197 = tpu.vector_load %arg10[%swap3A_195, %swap3A_196] {strides = array<i32>} : memref<384x16xf32, #tpu.memory_space<vmem>>, vector<1x16xf32>,
      %swap3A_198 = vector.shape_cast %swap3A_197 : vector<1x16xf32> to vector<16xf32>
      %swap3A_199 = vector.shape_cast %broadcast_in_dim3A_190 : vector<16xf32> to vector<1x16xf32>
      tpu.vector_store %arg10[%swap3A_195, %swap3A_196], %swap3A_199 {strides = array<i32>} : memref<384x16xf32, #tpu.memory_space<vmem>>, vector<1x16xf32>,
      %slice3A_200 = vector.extract_strided_slice %convert_element_type3A {offsets = [5], sizes = [1], strides = [1]} : vector<16xf32> to vector<1xf32>
      %squeeze3A_201 = vector.extract %slice3A_200[0] : f32 from vector<1xf32>
      %broadcast_in_dim3A_202 = vector.broadcast %squeeze3A_201 : f32 to vector<16xf32>
      %mul3A_203 = arith.constant 16 : i32
      %mul3A_204 = arith.muli %scan3A_135, %mul3A_203 : i32
      %add3A_205 = arith.constant 5 : i32
      %add3A_206 = arith.addi %mul3A_204, %add3A_205 : i32
      %swap3A_207 = arith.index_cast %add3A_206 : i32 to index
      %swap3A_208 = arith.constant 0 : index
      %swap3A_209 = tpu.vector_load %arg10[%swap3A_207, %swap3A_208] {strides = array<i32>} : memref<384x16xf32, #tpu.memory_space<vmem>>, vector<1x16xf32>,
      %swap3A_210 = vector.shape_cast %swap3A_209 : vector<1x16xf32> to vector<16xf32>
      %swap3A_211 = vector.shape_cast %broadcast_in_dim3A_202 : vector<16xf32> to vector<1x16xf32>
      tpu.vector_store %arg10[%swap3A_207, %swap3A_208], %swap3A_211 {strides = array<i32>} : memref<384x16xf32, #tpu.memory_space<vmem>>, vector<1x16xf32>,
      %slice3A_212 = vector.extract_strided_slice %convert_element_type3A {offsets = [6], sizes = [1], strides = [1]} : vector<16xf32> to vector<1xf32>
      %squeeze3A_213 = vector.extract %slice3A_212[0] : f32 from vector<1xf32>
      %broadcast_in_dim3A_214 = vector.broadcast %squeeze3A_213 : f32 to vector<16xf32>
      %mul3A_215 = arith.constant 16 : i32
      %mul3A_216 = arith.muli %scan3A_135, %mul3A_215 : i32
      %add3A_217 = arith.constant 6 : i32
      %add3A_218 = arith.addi %mul3A_216, %add3A_217 : i32
      %swap3A_219 = arith.index_cast %add3A_218 : i32 to index
      %swap3A_220 = arith.constant 0 : index
      %swap3A_221 = tpu.vector_load %arg10[%swap3A_219, %swap3A_220] {strides = array<i32>} : memref<384x16xf32, #tpu.memory_space<vmem>>, vector<1x16xf32>,
      %swap3A_222 = vector.shape_cast %swap3A_221 : vector<1x16xf32> to vector<16xf32>
      %swap3A_223 = vector.shape_cast %broadcast_in_dim3A_214 : vector<16xf32> to vector<1x16xf32>
      tpu.vector_store %arg10[%swap3A_219, %swap3A_220], %swap3A_223 {strides = array<i32>} : memref<384x16xf32, #tpu.memory_space<vmem>>, vector<1x16xf32>,
      %slice3A_224 = vector.extract_strided_slice %convert_element_type3A {offsets = [7], sizes = [1], strides = [1]} : vector<16xf32> to vector<1xf32>
      %squeeze3A_225 = vector.extract %slice3A_224[0] : f32 from vector<1xf32>
      %broadcast_in_dim3A_226 = vector.broadcast %squeeze3A_225 : f32 to vector<16xf32>
      %mul3A_227 = arith.constant 16 : i32
      %mul3A_228 = arith.muli %scan3A_135, %mul3A_227 : i32
      %add3A_229 = arith.constant 7 : i32
      %add3A_230 = arith.addi %mul3A_228, %add3A_229 : i32
      %swap3A_231 = arith.index_cast %add3A_230 : i32 to index
      %swap3A_232 = arith.constant 0 : index
      %swap3A_233 = tpu.vector_load %arg10[%swap3A_231, %swap3A_232] {strides = array<i32>} : memref<384x16xf32, #tpu.memory_space<vmem>>, vector<1x16xf32>,
      %swap3A_234 = vector.shape_cast %swap3A_233 : vector<1x16xf32> to vector<16xf32>
      %swap3A_235 = vector.shape_cast %broadcast_in_dim3A_226 : vector<16xf32> to vector<1x16xf32>
      tpu.vector_store %arg10[%swap3A_231, %swap3A_232], %swap3A_235 {strides = array<i32>} : memref<384x16xf32, #tpu.memory_space<vmem>>, vector<1x16xf32>,
      %slice3A_236 = vector.extract_strided_slice %convert_element_type3A {offsets = [8], sizes = [1], strides = [1]} : vector<16xf32> to vector<1xf32>
      %squeeze3A_237 = vector.extract %slice3A_236[0] : f32 from vector<1xf32>
      %broadcast_in_dim3A_238 = vector.broadcast %squeeze3A_237 : f32 to vector<16xf32>
      %mul3A_239 = arith.constant 16 : i32
      %mul3A_240 = arith.muli %scan3A_135, %mul3A_239 : i32
      %add3A_241 = arith.constant 8 : i32
      %add3A_242 = arith.addi %mul3A_240, %add3A_241 : i32
      %swap3A_243 = arith.index_cast %add3A_242 : i32 to index
      %swap3A_244 = arith.constant 0 : index
      %swap3A_245 = tpu.vector_load %arg10[%swap3A_243, %swap3A_244] {strides = array<i32>} : memref<384x16xf32, #tpu.memory_space<vmem>>, vector<1x16xf32>,
      %swap3A_246 = vector.shape_cast %swap3A_245 : vector<1x16xf32> to vector<16xf32>
      %swap3A_247 = vector.shape_cast %broadcast_in_dim3A_238 : vector<16xf32> to vector<1x16xf32>
      tpu.vector_store %arg10[%swap3A_243, %swap3A_244], %swap3A_247 {strides = array<i32>} : memref<384x16xf32, #tpu.memory_space<vmem>>, vector<1x16xf32>,
      %slice3A_248 = vector.extract_strided_slice %convert_element_type3A {offsets = [9], sizes = [1], strides = [1]} : vector<16xf32> to vector<1xf32>
      %squeeze3A_249 = vector.extract %slice3A_248[0] : f32 from vector<1xf32>
      %broadcast_in_dim3A_250 = vector.broadcast %squeeze3A_249 : f32 to vector<16xf32>
      %mul3A_251 = arith.constant 16 : i32
      %mul3A_252 = arith.muli %scan3A_135, %mul3A_251 : i32
      %add3A_253 = arith.constant 9 : i32
      %add3A_254 = arith.addi %mul3A_252, %add3A_253 : i32
      %swap3A_255 = arith.index_cast %add3A_254 : i32 to index
      %swap3A_256 = arith.constant 0 : index
      %swap3A_257 = tpu.vector_load %arg10[%swap3A_255, %swap3A_256] {strides = array<i32>} : memref<384x16xf32, #tpu.memory_space<vmem>>, vector<1x16xf32>,
      %swap3A_258 = vector.shape_cast %swap3A_257 : vector<1x16xf32> to vector<16xf32>
      %swap3A_259 = vector.shape_cast %broadcast_in_dim3A_250 : vector<16xf32> to vector<1x16xf32>
      tpu.vector_store %arg10[%swap3A_255, %swap3A_256], %swap3A_259 {strides = array<i32>} : memref<384x16xf32, #tpu.memory_space<vmem>>, vector<1x16xf32>,
      %slice3A_260 = vector.extract_strided_slice %convert_element_type3A {offsets = [10], sizes = [1], strides = [1]} : vector<16xf32> to vector<1xf32>
      %squeeze3A_261 = vector.extract %slice3A_260[0] : f32 from vector<1xf32>
      %broadcast_in_dim3A_262 = vector.broadcast %squeeze3A_261 : f32 to vector<16xf32>
      %mul3A_263 = arith.constant 16 : i32
      %mul3A_264 = arith.muli %scan3A_135, %mul3A_263 : i32
      %add3A_265 = arith.constant 10 : i32
      %add3A_266 = arith.addi %mul3A_264, %add3A_265 : i32
      %swap3A_267 = arith.index_cast %add3A_266 : i32 to index
      %swap3A_268 = arith.constant 0 : index
      %swap3A_269 = tpu.vector_load %arg10[%swap3A_267, %swap3A_268] {strides = array<i32>} : memref<384x16xf32, #tpu.memory_space<vmem>>, vector<1x16xf32>,
      %swap3A_270 = vector.shape_cast %swap3A_269 : vector<1x16xf32> to vector<16xf32>
      %swap3A_271 = vector.shape_cast %broadcast_in_dim3A_262 : vector<16xf32> to vector<1x16xf32>
      tpu.vector_store %arg10[%swap3A_267, %swap3A_268], %swap3A_271 {strides = array<i32>} : memref<384x16xf32, #tpu.memory_space<vmem>>, vector<1x16xf32>,
      %slice3A_272 = vector.extract_strided_slice %convert_element_type3A {offsets = [11], sizes = [1], strides = [1]} : vector<16xf32> to vector<1xf32>
      %squeeze3A_273 = vector.extract %slice3A_272[0] : f32 from vector<1xf32>
      %broadcast_in_dim3A_274 = vector.broadcast %squeeze3A_273 : f32 to vector<16xf32>
      %mul3A_275 = arith.constant 16 : i32
      %mul3A_276 = arith.muli %scan3A_135, %mul3A_275 : i32
      %add3A_277 = arith.constant 11 : i32
      %add3A_278 = arith.addi %mul3A_276, %add3A_277 : i32
      %swap3A_279 = arith.index_cast %add3A_278 : i32 to index
      %swap3A_280 = arith.constant 0 : index
      %swap3A_281 = tpu.vector_load %arg10[%swap3A_279, %swap3A_280] {strides = array<i32>} : memref<384x16xf32, #tpu.memory_space<vmem>>, vector<1x16xf32>,
      %swap3A_282 = vector.shape_cast %swap3A_281 : vector<1x16xf32> to vector<16xf32>
      %swap3A_283 = vector.shape_cast %broadcast_in_dim3A_274 : vector<16xf32> to vector<1x16xf32>
      tpu.vector_store %arg10[%swap3A_279, %swap3A_280], %swap3A_283 {strides = array<i32>} : memref<384x16xf32, #tpu.memory_space<vmem>>, vector<1x16xf32>,
      %slice3A_284 = vector.extract_strided_slice %convert_element_type3A {offsets = [12], sizes = [1], strides = [1]} : vector<16xf32> to vector<1xf32>
      %squeeze3A_285 = vector.extract %slice3A_284[0] : f32 from vector<1xf32>
      %broadcast_in_dim3A_286 = vector.broadcast %squeeze3A_285 : f32 to vector<16xf32>
      %mul3A_287 = arith.constant 16 : i32
      %mul3A_288 = arith.muli %scan3A_135, %mul3A_287 : i32
      %add3A_289 = arith.constant 12 : i32
      %add3A_290 = arith.addi %mul3A_288, %add3A_289 : i32
      %swap3A_291 = arith.index_cast %add3A_290 : i32 to index
      %swap3A_292 = arith.constant 0 : index
      %swap3A_293 = tpu.vector_load %arg10[%swap3A_291, %swap3A_292] {strides = array<i32>} : memref<384x16xf32, #tpu.memory_space<vmem>>, vector<1x16xf32>,
      %swap3A_294 = vector.shape_cast %swap3A_293 : vector<1x16xf32> to vector<16xf32>
      %swap3A_295 = vector.shape_cast %broadcast_in_dim3A_286 : vector<16xf32> to vector<1x16xf32>
      tpu.vector_store %arg10[%swap3A_291, %swap3A_292], %swap3A_295 {strides = array<i32>} : memref<384x16xf32, #tpu.memory_space<vmem>>, vector<1x16xf32>,
      %slice3A_296 = vector.extract_strided_slice %convert_element_type3A {offsets = [13], sizes = [1], strides = [1]} : vector<16xf32> to vector<1xf32>
      %squeeze3A_297 = vector.extract %slice3A_296[0] : f32 from vector<1xf32>
      %broadcast_in_dim3A_298 = vector.broadcast %squeeze3A_297 : f32 to vector<16xf32>
      %mul3A_299 = arith.constant 16 : i32
      %mul3A_300 = arith.muli %scan3A_135, %mul3A_299 : i32
      %add3A_301 = arith.constant 13 : i32
      %add3A_302 = arith.addi %mul3A_300, %add3A_301 : i32
      %swap3A_303 = arith.index_cast %add3A_302 : i32 to index
      %swap3A_304 = arith.constant 0 : index
      %swap3A_305 = tpu.vector_load %arg10[%swap3A_303, %swap3A_304] {strides = array<i32>} : memref<384x16xf32, #tpu.memory_space<vmem>>, vector<1x16xf32>,
      %swap3A_306 = vector.shape_cast %swap3A_305 : vector<1x16xf32> to vector<16xf32>
      %swap3A_307 = vector.shape_cast %broadcast_in_dim3A_298 : vector<16xf32> to vector<1x16xf32>
      tpu.vector_store %arg10[%swap3A_303, %swap3A_304], %swap3A_307 {strides = array<i32>} : memref<384x16xf32, #tpu.memory_space<vmem>>, vector<1x16xf32>,
      %slice3A_308 = vector.extract_strided_slice %convert_element_type3A {offsets = [14], sizes = [1], strides = [1]} : vector<16xf32> to vector<1xf32>
      %squeeze3A_309 = vector.extract %slice3A_308[0] : f32 from vector<1xf32>
      %broadcast_in_dim3A_310 = vector.broadcast %squeeze3A_309 : f32 to vector<16xf32>
      %mul3A_311 = arith.constant 16 : i32
      %mul3A_312 = arith.muli %scan3A_135, %mul3A_311 : i32
      %add3A_313 = arith.constant 14 : i32
      %add3A_314 = arith.addi %mul3A_312, %add3A_313 : i32
      %swap3A_315 = arith.index_cast %add3A_314 : i32 to index
      %swap3A_316 = arith.constant 0 : index
      %swap3A_317 = tpu.vector_load %arg10[%swap3A_315, %swap3A_316] {strides = array<i32>} : memref<384x16xf32, #tpu.memory_space<vmem>>, vector<1x16xf32>,
      %swap3A_318 = vector.shape_cast %swap3A_317 : vector<1x16xf32> to vector<16xf32>
      %swap3A_319 = vector.shape_cast %broadcast_in_dim3A_310 : vector<16xf32> to vector<1x16xf32>
      tpu.vector_store %arg10[%swap3A_315, %swap3A_316], %swap3A_319 {strides = array<i32>} : memref<384x16xf32, #tpu.memory_space<vmem>>, vector<1x16xf32>,
      %slice3A_320 = vector.extract_strided_slice %convert_element_type3A {offsets = [15], sizes = [1], strides = [1]} : vector<16xf32> to vector<1xf32>
      %squeeze3A_321 = vector.extract %slice3A_320[0] : f32 from vector<1xf32>
      %broadcast_in_dim3A_322 = vector.broadcast %squeeze3A_321 : f32 to vector<16xf32>
      %mul3A_323 = arith.constant 16 : i32
      %mul3A_324 = arith.muli %scan3A_135, %mul3A_323 : i32
      %add3A_325 = arith.constant 15 : i32
      %add3A_326 = arith.addi %mul3A_324, %add3A_325 : i32
      %swap3A_327 = arith.index_cast %add3A_326 : i32 to index
      %swap3A_328 = arith.constant 0 : index
      %swap3A_329 = tpu.vector_load %arg10[%swap3A_327, %swap3A_328] {strides = array<i32>} : memref<384x16xf32, #tpu.memory_space<vmem>>, vector<1x16xf32>,
      %swap3A_330 = vector.shape_cast %swap3A_329 : vector<1x16xf32> to vector<16xf32>
      %swap3A_331 = vector.shape_cast %broadcast_in_dim3A_322 : vector<16xf32> to vector<1x16xf32>
      tpu.vector_store %arg10[%swap3A_327, %swap3A_328], %swap3A_331 {strides = array<i32>} : memref<384x16xf32, #tpu.memory_space<vmem>>, vector<1x16xf32>,
      %scan3A_332 = arith.constant 0 : i32
      scf.yield %scan3A_332 : i32
    }
    %scan3A_106 = arith.constant 24 : i32
    %broadcast_in_dim3A = arith.constant 0.000000e+00 : f32
    %broadcast_in_dim3A_107 = vector.broadcast %broadcast_in_dim3A : f32 to vector<16xf32>
    %dma_wait3A_108 = arith.constant 0 : i32
    %dma_wait3A_109 = tpu.memref_slice %arg2[%mul3A_2, %dma_wait3A_108] : memref<16384x128xf32, #tpu.memory_space<hbm>> -> memref<192x128xf32, #tpu.memory_space<hbm>>
    %dma_wait3A_110 = arith.constant 0 : i32
    %dma_wait3A_111 = tpu.memref_slice %arg2[%mul3A_2, %dma_wait3A_110] : memref<16384x128xf32, #tpu.memory_space<hbm>> -> memref<192x128xf32, #tpu.memory_space<hbm>>
    tpu.wait_dma2 semaphore(%arg14 : memref<!tpu.dma_semaphore, #tpu.memory_space<semaphore_mem>>) src(%dma_wait3A_111 : memref<192x128xf32, #tpu.memory_space<hbm>>) dst(%arg7 : memref<192x128xf32, #tpu.memory_space<vmem>>)
    %scan3A_112 = arith.constant 0 : i32
    %scan3A_113 = arith.constant 192 : i32
    %scan3A_114 = arith.addi %scan3A_112, %scan3A_113 : i32
    %scan3A_115 = arith.constant 4 : i32
    %scan3A_116:2 = scf.for %scan3A_135 = %scan3A_112 to %scan3A_114 step %scan3A_115 iter_args(%scan3A_136 = %broadcast_in_dim3A_107, %scan3A_137 = %broadcast_in_dim3A_107) -> (vector<16xf32>, vector<16xf32>)  : i32 {
      %add3A_138 = arith.constant 0 : i32
      %add3A_139 = arith.addi %add3A_138, %scan3A_135 : i32
      %get3A_140 = arith.index_cast %add3A_139 : i32 to index
      %get3A_141 = arith.constant 0 : index
      %get3A_142 = tpu.vector_load %arg10[%get3A_140, %get3A_141] {strides = array<i32>} : memref<384x16xf32, #tpu.memory_space<vmem>>, vector<1x16xf32>,
      %get3A_143 = vector.shape_cast %get3A_142 : vector<1x16xf32> to vector<16xf32>
      %get3A_144 = arith.index_cast %scan3A_135 : i32 to index
      %get3A_145 = arith.constant 0 : index
      %get3A_146 = tpu.vector_load %arg7[%get3A_144, %get3A_145] {strides = array<i32>} : memref<192x128xf32, #tpu.memory_space<vmem>>, vector<1x16xf32>,
      %get3A_147 = vector.shape_cast %get3A_146 : vector<1x16xf32> to vector<16xf32>
      %sub3A_148 = arith.subf %get3A_147, %get3A_18 : vector<16xf32>
      %mul3A_149 = arith.mulf %get3A_143, %sub3A : vector<16xf32>
      %sub3A_150 = arith.subf %sub3A_148, %mul3A_149 : vector<16xf32>
      %mul3A_151 = arith.mulf %sub3A_150, %sub3A_150 : vector<16xf32>
      %add3A_152 = arith.addf %scan3A_136, %mul3A_151 : vector<16xf32>
      %get3A_153 = arith.index_cast %scan3A_135 : i32 to index
      %get3A_154 = arith.constant 16 : index
      %get3A_155 = tpu.vector_load %arg7[%get3A_153, %get3A_154] {strides = array<i32>} : memref<192x128xf32, #tpu.memory_space<vmem>>, vector<1x16xf32>,
      %get3A_156 = vector.shape_cast %get3A_155 : vector<1x16xf32> to vector<16xf32>
      %sub3A_157 = arith.subf %get3A_156, %get3A_23 : vector<16xf32>
      %mul3A_158 = arith.mulf %get3A_143, %sub3A_64 : vector<16xf32>
      %sub3A_159 = arith.subf %sub3A_157, %mul3A_158 : vector<16xf32>
      %mul3A_160 = arith.mulf %sub3A_159, %sub3A_159 : vector<16xf32>
      %add3A_161 = arith.addf %scan3A_137, %mul3A_160 : vector<16xf32>
      %get3A_162 = arith.index_cast %scan3A_135 : i32 to index
      %get3A_163 = arith.constant 32 : index
      %get3A_164 = tpu.vector_load %arg7[%get3A_162, %get3A_163] {strides = array<i32>} : memref<192x128xf32, #tpu.memory_space<vmem>>, vector<1x16xf32>,
      %get3A_165 = vector.shape_cast %get3A_164 : vector<1x16xf32> to vector<16xf32>
      %sub3A_166 = arith.subf %get3A_165, %get3A_28 : vector<16xf32>
      %mul3A_167 = arith.mulf %get3A_143, %sub3A_70 : vector<16xf32>
      %sub3A_168 = arith.subf %sub3A_166, %mul3A_167 : vector<16xf32>
      %mul3A_169 = arith.mulf %sub3A_168, %sub3A_168 : vector<16xf32>
      %add3A_170 = arith.addf %add3A_152, %mul3A_169 : vector<16xf32>
      %get3A_171 = arith.index_cast %scan3A_135 : i32 to index
      %get3A_172 = arith.constant 48 : index
      %get3A_173 = tpu.vector_load %arg7[%get3A_171, %get3A_172] {strides = array<i32>} : memref<192x128xf32, #tpu.memory_space<vmem>>, vector<1x16xf32>,
      %get3A_174 = vector.shape_cast %get3A_173 : vector<1x16xf32> to vector<16xf32>
      %sub3A_175 = arith.subf %get3A_174, %get3A_33 : vector<16xf32>
      %mul3A_176 = arith.mulf %get3A_143, %sub3A_76 : vector<16xf32>
      %sub3A_177 = arith.subf %sub3A_175, %mul3A_176 : vector<16xf32>
      %mul3A_178 = arith.mulf %sub3A_177, %sub3A_177 : vector<16xf32>
      %add3A_179 = arith.addf %add3A_161, %mul3A_178 : vector<16xf32>
      %get3A_180 = arith.index_cast %scan3A_135 : i32 to index
      %get3A_181 = arith.constant 64 : index
      %get3A_182 = tpu.vector_load %arg7[%get3A_180, %get3A_181] {strides = array<i32>} : memref<192x128xf32, #tpu.memory_space<vmem>>, vector<1x16xf32>,
      %get3A_183 = vector.shape_cast %get3A_182 : vector<1x16xf32> to vector<16xf32>
      %sub3A_184 = arith.subf %get3A_183, %get3A_38 : vector<16xf32>
      %mul3A_185 = arith.mulf %get3A_143, %sub3A_82 : vector<16xf32>
      %sub3A_186 = arith.subf %sub3A_184, %mul3A_185 : vector<16xf32>
      %mul3A_187 = arith.mulf %sub3A_186, %sub3A_186 : vector<16xf32>
      %add3A_188 = arith.addf %add3A_170, %mul3A_187 : vector<16xf32>
      %get3A_189 = arith.index_cast %scan3A_135 : i32 to index
      %get3A_190 = arith.constant 80 : index
      %get3A_191 = tpu.vector_load %arg7[%get3A_189, %get3A_190] {strides = array<i32>} : memref<192x128xf32, #tpu.memory_space<vmem>>, vector<1x16xf32>,
      %get3A_192 = vector.shape_cast %get3A_191 : vector<1x16xf32> to vector<16xf32>
      %sub3A_193 = arith.subf %get3A_192, %get3A_43 : vector<16xf32>
      %mul3A_194 = arith.mulf %get3A_143, %sub3A_88 : vector<16xf32>
      %sub3A_195 = arith.subf %sub3A_193, %mul3A_194 : vector<16xf32>
      %mul3A_196 = arith.mulf %sub3A_195, %sub3A_195 : vector<16xf32>
      %add3A_197 = arith.addf %add3A_179, %mul3A_196 : vector<16xf32>
      %get3A_198 = arith.index_cast %scan3A_135 : i32 to index
      %get3A_199 = arith.constant 96 : index
      %get3A_200 = tpu.vector_load %arg7[%get3A_198, %get3A_199] {strides = array<i32>} : memref<192x128xf32, #tpu.memory_space<vmem>>, vector<1x16xf32>,
      %get3A_201 = vector.shape_cast %get3A_200 : vector<1x16xf32> to vector<16xf32>
      %sub3A_202 = arith.subf %get3A_201, %get3A_48 : vector<16xf32>
      %mul3A_203 = arith.mulf %get3A_143, %sub3A_94 : vector<16xf32>
      %sub3A_204 = arith.subf %sub3A_202, %mul3A_203 : vector<16xf32>
      %mul3A_205 = arith.mulf %sub3A_204, %sub3A_204 : vector<16xf32>
      %add3A_206 = arith.addf %add3A_188, %mul3A_205 : vector<16xf32>
      %get3A_207 = arith.index_cast %scan3A_135 : i32 to index
      %get3A_208 = arith.constant 112 : index
      %get3A_209 = tpu.vector_load %arg7[%get3A_207, %get3A_208] {strides = array<i32>} : memref<192x128xf32, #tpu.memory_space<vmem>>, vector<1x16xf32>,
      %get3A_210 = vector.shape_cast %get3A_209 : vector<1x16xf32> to vector<16xf32>
      %sub3A_211 = arith.subf %get3A_210, %get3A_53 : vector<16xf32>
      %mul3A_212 = arith.mulf %get3A_143, %sub3A_100 : vector<16xf32>
      %sub3A_213 = arith.subf %sub3A_211, %mul3A_212 : vector<16xf32>
      %mul3A_214 = arith.mulf %sub3A_213, %sub3A_213 : vector<16xf32>
      %add3A_215 = arith.addf %add3A_197, %mul3A_214 : vector<16xf32>
      %scan3A_216 = arith.constant 1 : i32
      %scan3A_217 = arith.addi %scan3A_135, %scan3A_216 : i32
      %add3A_218 = arith.constant 0 : i32
      %add3A_219 = arith.addi %add3A_218, %scan3A_217 : i32
      %get3A_220 = arith.index_cast %add3A_219 : i32 to index
      %get3A_221 = arith.constant 0 : index
      %get3A_222 = tpu.vector_load %arg10[%get3A_220, %get3A_221] {strides = array<i32>} : memref<384x16xf32, #tpu.memory_space<vmem>>, vector<1x16xf32>,
      %get3A_223 = vector.shape_cast %get3A_222 : vector<1x16xf32> to vector<16xf32>
      %get3A_224 = arith.index_cast %scan3A_217 : i32 to index
      %get3A_225 = arith.constant 0 : index
      %get3A_226 = tpu.vector_load %arg7[%get3A_224, %get3A_225] {strides = array<i32>} : memref<192x128xf32, #tpu.memory_space<vmem>>, vector<1x16xf32>,
      %get3A_227 = vector.shape_cast %get3A_226 : vector<1x16xf32> to vector<16xf32>
      %sub3A_228 = arith.subf %get3A_227, %get3A_18 : vector<16xf32>
      %mul3A_229 = arith.mulf %get3A_223, %sub3A : vector<16xf32>
      %sub3A_230 = arith.subf %sub3A_228, %mul3A_229 : vector<16xf32>
      %mul3A_231 = arith.mulf %sub3A_230, %sub3A_230 : vector<16xf32>
      %add3A_232 = arith.addf %add3A_206, %mul3A_231 : vector<16xf32>
      %get3A_233 = arith.index_cast %scan3A_217 : i32 to index
      %get3A_234 = arith.constant 16 : index
      %get3A_235 = tpu.vector_load %arg7[%get3A_233, %get3A_234] {strides = array<i32>} : memref<192x128xf32, #tpu.memory_space<vmem>>, vector<1x16xf32>,
      %get3A_236 = vector.shape_cast %get3A_235 : vector<1x16xf32> to vector<16xf32>
      %sub3A_237 = arith.subf %get3A_236, %get3A_23 : vector<16xf32>
      %mul3A_238 = arith.mulf %get3A_223, %sub3A_64 : vector<16xf32>
      %sub3A_239 = arith.subf %sub3A_237, %mul3A_238 : vector<16xf32>
      %mul3A_240 = arith.mulf %sub3A_239, %sub3A_239 : vector<16xf32>
      %add3A_241 = arith.addf %add3A_215, %mul3A_240 : vector<16xf32>
      %get3A_242 = arith.index_cast %scan3A_217 : i32 to index
      %get3A_243 = arith.constant 32 : index
      %get3A_244 = tpu.vector_load %arg7[%get3A_242, %get3A_243] {strides = array<i32>} : memref<192x128xf32, #tpu.memory_space<vmem>>, vector<1x16xf32>,
      %get3A_245 = vector.shape_cast %get3A_244 : vector<1x16xf32> to vector<16xf32>
      %sub3A_246 = arith.subf %get3A_245, %get3A_28 : vector<16xf32>
      %mul3A_247 = arith.mulf %get3A_223, %sub3A_70 : vector<16xf32>
      %sub3A_248 = arith.subf %sub3A_246, %mul3A_247 : vector<16xf32>
      %mul3A_249 = arith.mulf %sub3A_248, %sub3A_248 : vector<16xf32>
      %add3A_250 = arith.addf %add3A_232, %mul3A_249 : vector<16xf32>
      %get3A_251 = arith.index_cast %scan3A_217 : i32 to index
      %get3A_252 = arith.constant 48 : index
      %get3A_253 = tpu.vector_load %arg7[%get3A_251, %get3A_252] {strides = array<i32>} : memref<192x128xf32, #tpu.memory_space<vmem>>, vector<1x16xf32>,
      %get3A_254 = vector.shape_cast %get3A_253 : vector<1x16xf32> to vector<16xf32>
      %sub3A_255 = arith.subf %get3A_254, %get3A_33 : vector<16xf32>
      %mul3A_256 = arith.mulf %get3A_223, %sub3A_76 : vector<16xf32>
      %sub3A_257 = arith.subf %sub3A_255, %mul3A_256 : vector<16xf32>
      %mul3A_258 = arith.mulf %sub3A_257, %sub3A_257 : vector<16xf32>
      %add3A_259 = arith.addf %add3A_241, %mul3A_258 : vector<16xf32>
      %get3A_260 = arith.index_cast %scan3A_217 : i32 to index
      %get3A_261 = arith.constant 64 : index
      %get3A_262 = tpu.vector_load %arg7[%get3A_260, %get3A_261] {strides = array<i32>} : memref<192x128xf32, #tpu.memory_space<vmem>>, vector<1x16xf32>,
      %get3A_263 = vector.shape_cast %get3A_262 : vector<1x16xf32> to vector<16xf32>
      %sub3A_264 = arith.subf %get3A_263, %get3A_38 : vector<16xf32>
      %mul3A_265 = arith.mulf %get3A_223, %sub3A_82 : vector<16xf32>
      %sub3A_266 = arith.subf %sub3A_264, %mul3A_265 : vector<16xf32>
      %mul3A_267 = arith.mulf %sub3A_266, %sub3A_266 : vector<16xf32>
      %add3A_268 = arith.addf %add3A_250, %mul3A_267 : vector<16xf32>
      %get3A_269 = arith.index_cast %scan3A_217 : i32 to index
      %get3A_270 = arith.constant 80 : index
      %get3A_271 = tpu.vector_load %arg7[%get3A_269, %get3A_270] {strides = array<i32>} : memref<192x128xf32, #tpu.memory_space<vmem>>, vector<1x16xf32>,
      %get3A_272 = vector.shape_cast %get3A_271 : vector<1x16xf32> to vector<16xf32>
      %sub3A_273 = arith.subf %get3A_272, %get3A_43 : vector<16xf32>
      %mul3A_274 = arith.mulf %get3A_223, %sub3A_88 : vector<16xf32>
      %sub3A_275 = arith.subf %sub3A_273, %mul3A_274 : vector<16xf32>
      %mul3A_276 = arith.mulf %sub3A_275, %sub3A_275 : vector<16xf32>
      %add3A_277 = arith.addf %add3A_259, %mul3A_276 : vector<16xf32>
      %get3A_278 = arith.index_cast %scan3A_217 : i32 to index
      %get3A_279 = arith.constant 96 : index
      %get3A_280 = tpu.vector_load %arg7[%get3A_278, %get3A_279] {strides = array<i32>} : memref<192x128xf32, #tpu.memory_space<vmem>>, vector<1x16xf32>,
      %get3A_281 = vector.shape_cast %get3A_280 : vector<1x16xf32> to vector<16xf32>
      %sub3A_282 = arith.subf %get3A_281, %get3A_48 : vector<16xf32>
      %mul3A_283 = arith.mulf %get3A_223, %sub3A_94 : vector<16xf32>
      %sub3A_284 = arith.subf %sub3A_282, %mul3A_283 : vector<16xf32>
      %mul3A_285 = arith.mulf %sub3A_284, %sub3A_284 : vector<16xf32>
      %add3A_286 = arith.addf %add3A_268, %mul3A_285 : vector<16xf32>
      %get3A_287 = arith.index_cast %scan3A_217 : i32 to index
      %get3A_288 = arith.constant 112 : index
      %get3A_289 = tpu.vector_load %arg7[%get3A_287, %get3A_288] {strides = array<i32>} : memref<192x128xf32, #tpu.memory_space<vmem>>, vector<1x16xf32>,
      %get3A_290 = vector.shape_cast %get3A_289 : vector<1x16xf32> to vector<16xf32>
      %sub3A_291 = arith.subf %get3A_290, %get3A_53 : vector<16xf32>
      %mul3A_292 = arith.mulf %get3A_223, %sub3A_100 : vector<16xf32>
      %sub3A_293 = arith.subf %sub3A_291, %mul3A_292 : vector<16xf32>
      %mul3A_294 = arith.mulf %sub3A_293, %sub3A_293 : vector<16xf32>
      %add3A_295 = arith.addf %add3A_277, %mul3A_294 : vector<16xf32>
      %scan3A_296 = arith.constant 2 : i32
      %scan3A_297 = arith.addi %scan3A_135, %scan3A_296 : i32
      %add3A_298 = arith.constant 0 : i32
      %add3A_299 = arith.addi %add3A_298, %scan3A_297 : i32
      %get3A_300 = arith.index_cast %add3A_299 : i32 to index
      %get3A_301 = arith.constant 0 : index
      %get3A_302 = tpu.vector_load %arg10[%get3A_300, %get3A_301] {strides = array<i32>} : memref<384x16xf32, #tpu.memory_space<vmem>>, vector<1x16xf32>,
      %get3A_303 = vector.shape_cast %get3A_302 : vector<1x16xf32> to vector<16xf32>
      %get3A_304 = arith.index_cast %scan3A_297 : i32 to index
      %get3A_305 = arith.constant 0 : index
      %get3A_306 = tpu.vector_load %arg7[%get3A_304, %get3A_305] {strides = array<i32>} : memref<192x128xf32, #tpu.memory_space<vmem>>, vector<1x16xf32>,
      %get3A_307 = vector.shape_cast %get3A_306 : vector<1x16xf32> to vector<16xf32>
      %sub3A_308 = arith.subf %get3A_307, %get3A_18 : vector<16xf32>
      %mul3A_309 = arith.mulf %get3A_303, %sub3A : vector<16xf32>
      %sub3A_310 = arith.subf %sub3A_308, %mul3A_309 : vector<16xf32>
      %mul3A_311 = arith.mulf %sub3A_310, %sub3A_310 : vector<16xf32>
      %add3A_312 = arith.addf %add3A_286, %mul3A_311 : vector<16xf32>
      %get3A_313 = arith.index_cast %scan3A_297 : i32 to index
      %get3A_314 = arith.constant 16 : index
      %get3A_315 = tpu.vector_load %arg7[%get3A_313, %get3A_314] {strides = array<i32>} : memref<192x128xf32, #tpu.memory_space<vmem>>, vector<1x16xf32>,
      %get3A_316 = vector.shape_cast %get3A_315 : vector<1x16xf32> to vector<16xf32>
      %sub3A_317 = arith.subf %get3A_316, %get3A_23 : vector<16xf32>
      %mul3A_318 = arith.mulf %get3A_303, %sub3A_64 : vector<16xf32>
      %sub3A_319 = arith.subf %sub3A_317, %mul3A_318 : vector<16xf32>
      %mul3A_320 = arith.mulf %sub3A_319, %sub3A_319 : vector<16xf32>
      %add3A_321 = arith.addf %add3A_295, %mul3A_320 : vector<16xf32>
      %get3A_322 = arith.index_cast %scan3A_297 : i32 to index
      %get3A_323 = arith.constant 32 : index
      %get3A_324 = tpu.vector_load %arg7[%get3A_322, %get3A_323] {strides = array<i32>} : memref<192x128xf32, #tpu.memory_space<vmem>>, vector<1x16xf32>,
      %get3A_325 = vector.shape_cast %get3A_324 : vector<1x16xf32> to vector<16xf32>
      %sub3A_326 = arith.subf %get3A_325, %get3A_28 : vector<16xf32>
      %mul3A_327 = arith.mulf %get3A_303, %sub3A_70 : vector<16xf32>
      %sub3A_328 = arith.subf %sub3A_326, %mul3A_327 : vector<16xf32>
      %mul3A_329 = arith.mulf %sub3A_328, %sub3A_328 : vector<16xf32>
      %add3A_330 = arith.addf %add3A_312, %mul3A_329 : vector<16xf32>
      %get3A_331 = arith.index_cast %scan3A_297 : i32 to index
      %get3A_332 = arith.constant 48 : index
      %get3A_333 = tpu.vector_load %arg7[%get3A_331, %get3A_332] {strides = array<i32>} : memref<192x128xf32, #tpu.memory_space<vmem>>, vector<1x16xf32>,
      %get3A_334 = vector.shape_cast %get3A_333 : vector<1x16xf32> to vector<16xf32>
      %sub3A_335 = arith.subf %get3A_334, %get3A_33 : vector<16xf32>
      %mul3A_336 = arith.mulf %get3A_303, %sub3A_76 : vector<16xf32>
      %sub3A_337 = arith.subf %sub3A_335, %mul3A_336 : vector<16xf32>
      %mul3A_338 = arith.mulf %sub3A_337, %sub3A_337 : vector<16xf32>
      %add3A_339 = arith.addf %add3A_321, %mul3A_338 : vector<16xf32>
      %get3A_340 = arith.index_cast %scan3A_297 : i32 to index
      %get3A_341 = arith.constant 64 : index
      %get3A_342 = tpu.vector_load %arg7[%get3A_340, %get3A_341] {strides = array<i32>} : memref<192x128xf32, #tpu.memory_space<vmem>>, vector<1x16xf32>,
      %get3A_343 = vector.shape_cast %get3A_342 : vector<1x16xf32> to vector<16xf32>
      %sub3A_344 = arith.subf %get3A_343, %get3A_38 : vector<16xf32>
      %mul3A_345 = arith.mulf %get3A_303, %sub3A_82 : vector<16xf32>
      %sub3A_346 = arith.subf %sub3A_344, %mul3A_345 : vector<16xf32>
      %mul3A_347 = arith.mulf %sub3A_346, %sub3A_346 : vector<16xf32>
      %add3A_348 = arith.addf %add3A_330, %mul3A_347 : vector<16xf32>
      %get3A_349 = arith.index_cast %scan3A_297 : i32 to index
      %get3A_350 = arith.constant 80 : index
      %get3A_351 = tpu.vector_load %arg7[%get3A_349, %get3A_350] {strides = array<i32>} : memref<192x128xf32, #tpu.memory_space<vmem>>, vector<1x16xf32>,
      %get3A_352 = vector.shape_cast %get3A_351 : vector<1x16xf32> to vector<16xf32>
      %sub3A_353 = arith.subf %get3A_352, %get3A_43 : vector<16xf32>
      %mul3A_354 = arith.mulf %get3A_303, %sub3A_88 : vector<16xf32>
      %sub3A_355 = arith.subf %sub3A_353, %mul3A_354 : vector<16xf32>
      %mul3A_356 = arith.mulf %sub3A_355, %sub3A_355 : vector<16xf32>
      %add3A_357 = arith.addf %add3A_339, %mul3A_356 : vector<16xf32>
      %get3A_358 = arith.index_cast %scan3A_297 : i32 to index
      %get3A_359 = arith.constant 96 : index
      %get3A_360 = tpu.vector_load %arg7[%get3A_358, %get3A_359] {strides = array<i32>} : memref<192x128xf32, #tpu.memory_space<vmem>>, vector<1x16xf32>,
      %get3A_361 = vector.shape_cast %get3A_360 : vector<1x16xf32> to vector<16xf32>
      %sub3A_362 = arith.subf %get3A_361, %get3A_48 : vector<16xf32>
      %mul3A_363 = arith.mulf %get3A_303, %sub3A_94 : vector<16xf32>
      %sub3A_364 = arith.subf %sub3A_362, %mul3A_363 : vector<16xf32>
      %mul3A_365 = arith.mulf %sub3A_364, %sub3A_364 : vector<16xf32>
      %add3A_366 = arith.addf %add3A_348, %mul3A_365 : vector<16xf32>
      %get3A_367 = arith.index_cast %scan3A_297 : i32 to index
      %get3A_368 = arith.constant 112 : index
      %get3A_369 = tpu.vector_load %arg7[%get3A_367, %get3A_368] {strides = array<i32>} : memref<192x128xf32, #tpu.memory_space<vmem>>, vector<1x16xf32>,
      %get3A_370 = vector.shape_cast %get3A_369 : vector<1x16xf32> to vector<16xf32>
      %sub3A_371 = arith.subf %get3A_370, %get3A_53 : vector<16xf32>
      %mul3A_372 = arith.mulf %get3A_303, %sub3A_100 : vector<16xf32>
      %sub3A_373 = arith.subf %sub3A_371, %mul3A_372 : vector<16xf32>
      %mul3A_374 = arith.mulf %sub3A_373, %sub3A_373 : vector<16xf32>
      %add3A_375 = arith.addf %add3A_357, %mul3A_374 : vector<16xf32>
      %scan3A_376 = arith.constant 3 : i32
      %scan3A_377 = arith.addi %scan3A_135, %scan3A_376 : i32
      %add3A_378 = arith.constant 0 : i32
      %add3A_379 = arith.addi %add3A_378, %scan3A_377 : i32
      %get3A_380 = arith.index_cast %add3A_379 : i32 to index
      %get3A_381 = arith.constant 0 : index
      %get3A_382 = tpu.vector_load %arg10[%get3A_380, %get3A_381] {strides = array<i32>} : memref<384x16xf32, #tpu.memory_space<vmem>>, vector<1x16xf32>,
      %get3A_383 = vector.shape_cast %get3A_382 : vector<1x16xf32> to vector<16xf32>
      %get3A_384 = arith.index_cast %scan3A_377 : i32 to index
      %get3A_385 = arith.constant 0 : index
      %get3A_386 = tpu.vector_load %arg7[%get3A_384, %get3A_385] {strides = array<i32>} : memref<192x128xf32, #tpu.memory_space<vmem>>, vector<1x16xf32>,
      %get3A_387 = vector.shape_cast %get3A_386 : vector<1x16xf32> to vector<16xf32>
      %sub3A_388 = arith.subf %get3A_387, %get3A_18 : vector<16xf32>
      %mul3A_389 = arith.mulf %get3A_383, %sub3A : vector<16xf32>
      %sub3A_390 = arith.subf %sub3A_388, %mul3A_389 : vector<16xf32>
      %mul3A_391 = arith.mulf %sub3A_390, %sub3A_390 : vector<16xf32>
      %add3A_392 = arith.addf %add3A_366, %mul3A_391 : vector<16xf32>
      %get3A_393 = arith.index_cast %scan3A_377 : i32 to index
      %get3A_394 = arith.constant 16 : index
      %get3A_395 = tpu.vector_load %arg7[%get3A_393, %get3A_394] {strides = array<i32>} : memref<192x128xf32, #tpu.memory_space<vmem>>, vector<1x16xf32>,
      %get3A_396 = vector.shape_cast %get3A_395 : vector<1x16xf32> to vector<16xf32>
      %sub3A_397 = arith.subf %get3A_396, %get3A_23 : vector<16xf32>
      %mul3A_398 = arith.mulf %get3A_383, %sub3A_64 : vector<16xf32>
      %sub3A_399 = arith.subf %sub3A_397, %mul3A_398 : vector<16xf32>
      %mul3A_400 = arith.mulf %sub3A_399, %sub3A_399 : vector<16xf32>
      %add3A_401 = arith.addf %add3A_375, %mul3A_400 : vector<16xf32>
      %get3A_402 = arith.index_cast %scan3A_377 : i32 to index
      %get3A_403 = arith.constant 32 : index
      %get3A_404 = tpu.vector_load %arg7[%get3A_402, %get3A_403] {strides = array<i32>} : memref<192x128xf32, #tpu.memory_space<vmem>>, vector<1x16xf32>,
      %get3A_405 = vector.shape_cast %get3A_404 : vector<1x16xf32> to vector<16xf32>
      %sub3A_406 = arith.subf %get3A_405, %get3A_28 : vector<16xf32>
      %mul3A_407 = arith.mulf %get3A_383, %sub3A_70 : vector<16xf32>
      %sub3A_408 = arith.subf %sub3A_406, %mul3A_407 : vector<16xf32>
      %mul3A_409 = arith.mulf %sub3A_408, %sub3A_408 : vector<16xf32>
      %add3A_410 = arith.addf %add3A_392, %mul3A_409 : vector<16xf32>
      %get3A_411 = arith.index_cast %scan3A_377 : i32 to index
      %get3A_412 = arith.constant 48 : index
      %get3A_413 = tpu.vector_load %arg7[%get3A_411, %get3A_412] {strides = array<i32>} : memref<192x128xf32, #tpu.memory_space<vmem>>, vector<1x16xf32>,
      %get3A_414 = vector.shape_cast %get3A_413 : vector<1x16xf32> to vector<16xf32>
      %sub3A_415 = arith.subf %get3A_414, %get3A_33 : vector<16xf32>
      %mul3A_416 = arith.mulf %get3A_383, %sub3A_76 : vector<16xf32>
      %sub3A_417 = arith.subf %sub3A_415, %mul3A_416 : vector<16xf32>
      %mul3A_418 = arith.mulf %sub3A_417, %sub3A_417 : vector<16xf32>
      %add3A_419 = arith.addf %add3A_401, %mul3A_418 : vector<16xf32>
      %get3A_420 = arith.index_cast %scan3A_377 : i32 to index
      %get3A_421 = arith.constant 64 : index
      %get3A_422 = tpu.vector_load %arg7[%get3A_420, %get3A_421] {strides = array<i32>} : memref<192x128xf32, #tpu.memory_space<vmem>>, vector<1x16xf32>,
      %get3A_423 = vector.shape_cast %get3A_422 : vector<1x16xf32> to vector<16xf32>
      %sub3A_424 = arith.subf %get3A_423, %get3A_38 : vector<16xf32>
      %mul3A_425 = arith.mulf %get3A_383, %sub3A_82 : vector<16xf32>
      %sub3A_426 = arith.subf %sub3A_424, %mul3A_425 : vector<16xf32>
      %mul3A_427 = arith.mulf %sub3A_426, %sub3A_426 : vector<16xf32>
      %add3A_428 = arith.addf %add3A_410, %mul3A_427 : vector<16xf32>
      %get3A_429 = arith.index_cast %scan3A_377 : i32 to index
      %get3A_430 = arith.constant 80 : index
      %get3A_431 = tpu.vector_load %arg7[%get3A_429, %get3A_430] {strides = array<i32>} : memref<192x128xf32, #tpu.memory_space<vmem>>, vector<1x16xf32>,
      %get3A_432 = vector.shape_cast %get3A_431 : vector<1x16xf32> to vector<16xf32>
      %sub3A_433 = arith.subf %get3A_432, %get3A_43 : vector<16xf32>
      %mul3A_434 = arith.mulf %get3A_383, %sub3A_88 : vector<16xf32>
      %sub3A_435 = arith.subf %sub3A_433, %mul3A_434 : vector<16xf32>
      %mul3A_436 = arith.mulf %sub3A_435, %sub3A_435 : vector<16xf32>
      %add3A_437 = arith.addf %add3A_419, %mul3A_436 : vector<16xf32>
      %get3A_438 = arith.index_cast %scan3A_377 : i32 to index
      %get3A_439 = arith.constant 96 : index
      %get3A_440 = tpu.vector_load %arg7[%get3A_438, %get3A_439] {strides = array<i32>} : memref<192x128xf32, #tpu.memory_space<vmem>>, vector<1x16xf32>,
      %get3A_441 = vector.shape_cast %get3A_440 : vector<1x16xf32> to vector<16xf32>
      %sub3A_442 = arith.subf %get3A_441, %get3A_48 : vector<16xf32>
      %mul3A_443 = arith.mulf %get3A_383, %sub3A_94 : vector<16xf32>
      %sub3A_444 = arith.subf %sub3A_442, %mul3A_443 : vector<16xf32>
      %mul3A_445 = arith.mulf %sub3A_444, %sub3A_444 : vector<16xf32>
      %add3A_446 = arith.addf %add3A_428, %mul3A_445 : vector<16xf32>
      %get3A_447 = arith.index_cast %scan3A_377 : i32 to index
      %get3A_448 = arith.constant 112 : index
      %get3A_449 = tpu.vector_load %arg7[%get3A_447, %get3A_448] {strides = array<i32>} : memref<192x128xf32, #tpu.memory_space<vmem>>, vector<1x16xf32>,
      %get3A_450 = vector.shape_cast %get3A_449 : vector<1x16xf32> to vector<16xf32>
      %sub3A_451 = arith.subf %get3A_450, %get3A_53 : vector<16xf32>
      %mul3A_452 = arith.mulf %get3A_383, %sub3A_100 : vector<16xf32>
      %sub3A_453 = arith.subf %sub3A_451, %mul3A_452 : vector<16xf32>
      %mul3A_454 = arith.mulf %sub3A_453, %sub3A_453 : vector<16xf32>
      %add3A_455 = arith.addf %add3A_437, %mul3A_454 : vector<16xf32>
      scf.yield %add3A_446, %add3A_455 : vector<16xf32>, vector<16xf32>
    }
    %scan3A_117 = arith.constant 192 : i32
    %dma_wait3A_118 = arith.constant 0 : i32
    %dma_wait3A_119 = tpu.memref_slice %arg2[%add3A_7, %dma_wait3A_118] : memref<16384x128xf32, #tpu.memory_space<hbm>> -> memref<192x128xf32, #tpu.memory_space<hbm>>
    %dma_wait3A_120 = arith.constant 0 : i32
    %dma_wait3A_121 = tpu.memref_slice %arg2[%add3A_7, %dma_wait3A_120] : memref<16384x128xf32, #tpu.memory_space<hbm>> -> memref<192x128xf32, #tpu.memory_space<hbm>>
    tpu.wait_dma2 semaphore(%arg15 : memref<!tpu.dma_semaphore, #tpu.memory_space<semaphore_mem>>) src(%dma_wait3A_121 : memref<192x128xf32, #tpu.memory_space<hbm>>) dst(%arg8 : memref<192x128xf32, #tpu.memory_space<vmem>>)
    %scan3A_122 = arith.constant 0 : i32
    %scan3A_123 = arith.constant 192 : i32
    %scan3A_124 = arith.addi %scan3A_122, %scan3A_123 : i32
    %scan3A_125 = arith.constant 4 : i32
    %scan3A_126:2 = scf.for %scan3A_135 = %scan3A_122 to %scan3A_124 step %scan3A_125 iter_args(%scan3A_136 = %scan3A_116#0, %scan3A_137 = %scan3A_116#1) -> (vector<16xf32>, vector<16xf32>)  : i32 {
      %add3A_138 = arith.constant 192 : i32
      %add3A_139 = arith.addi %add3A_138, %scan3A_135 : i32
      %get3A_140 = arith.index_cast %add3A_139 : i32 to index
      %get3A_141 = arith.constant 0 : index
      %get3A_142 = tpu.vector_load %arg10[%get3A_140, %get3A_141] {strides = array<i32>} : memref<384x16xf32, #tpu.memory_space<vmem>>, vector<1x16xf32>,
      %get3A_143 = vector.shape_cast %get3A_142 : vector<1x16xf32> to vector<16xf32>
      %get3A_144 = arith.index_cast %scan3A_135 : i32 to index
      %get3A_145 = arith.constant 0 : index
      %get3A_146 = tpu.vector_load %arg8[%get3A_144, %get3A_145] {strides = array<i32>} : memref<192x128xf32, #tpu.memory_space<vmem>>, vector<1x16xf32>,
      %get3A_147 = vector.shape_cast %get3A_146 : vector<1x16xf32> to vector<16xf32>
      %sub3A_148 = arith.subf %get3A_147, %get3A_18 : vector<16xf32>
      %mul3A_149 = arith.mulf %get3A_143, %sub3A : vector<16xf32>
      %sub3A_150 = arith.subf %sub3A_148, %mul3A_149 : vector<16xf32>
      %mul3A_151 = arith.mulf %sub3A_150, %sub3A_150 : vector<16xf32>
      %add3A_152 = arith.addf %scan3A_136, %mul3A_151 : vector<16xf32>
      %get3A_153 = arith.index_cast %scan3A_135 : i32 to index
      %get3A_154 = arith.constant 16 : index
      %get3A_155 = tpu.vector_load %arg8[%get3A_153, %get3A_154] {strides = array<i32>} : memref<192x128xf32, #tpu.memory_space<vmem>>, vector<1x16xf32>,
      %get3A_156 = vector.shape_cast %get3A_155 : vector<1x16xf32> to vector<16xf32>
      %sub3A_157 = arith.subf %get3A_156, %get3A_23 : vector<16xf32>
      %mul3A_158 = arith.mulf %get3A_143, %sub3A_64 : vector<16xf32>
      %sub3A_159 = arith.subf %sub3A_157, %mul3A_158 : vector<16xf32>
      %mul3A_160 = arith.mulf %sub3A_159, %sub3A_159 : vector<16xf32>
      %add3A_161 = arith.addf %scan3A_137, %mul3A_160 : vector<16xf32>
      %get3A_162 = arith.index_cast %scan3A_135 : i32 to index
      %get3A_163 = arith.constant 32 : index
      %get3A_164 = tpu.vector_load %arg8[%get3A_162, %get3A_163] {strides = array<i32>} : memref<192x128xf32, #tpu.memory_space<vmem>>, vector<1x16xf32>,
      %get3A_165 = vector.shape_cast %get3A_164 : vector<1x16xf32> to vector<16xf32>
      %sub3A_166 = arith.subf %get3A_165, %get3A_28 : vector<16xf32>
      %mul3A_167 = arith.mulf %get3A_143, %sub3A_70 : vector<16xf32>
      %sub3A_168 = arith.subf %sub3A_166, %mul3A_167 : vector<16xf32>
      %mul3A_169 = arith.mulf %sub3A_168, %sub3A_168 : vector<16xf32>
      %add3A_170 = arith.addf %add3A_152, %mul3A_169 : vector<16xf32>
      %get3A_171 = arith.index_cast %scan3A_135 : i32 to index
      %get3A_172 = arith.constant 48 : index
      %get3A_173 = tpu.vector_load %arg8[%get3A_171, %get3A_172] {strides = array<i32>} : memref<192x128xf32, #tpu.memory_space<vmem>>, vector<1x16xf32>,
      %get3A_174 = vector.shape_cast %get3A_173 : vector<1x16xf32> to vector<16xf32>
      %sub3A_175 = arith.subf %get3A_174, %get3A_33 : vector<16xf32>
      %mul3A_176 = arith.mulf %get3A_143, %sub3A_76 : vector<16xf32>
      %sub3A_177 = arith.subf %sub3A_175, %mul3A_176 : vector<16xf32>
      %mul3A_178 = arith.mulf %sub3A_177, %sub3A_177 : vector<16xf32>
      %add3A_179 = arith.addf %add3A_161, %mul3A_178 : vector<16xf32>
      %get3A_180 = arith.index_cast %scan3A_135 : i32 to index
      %get3A_181 = arith.constant 64 : index
      %get3A_182 = tpu.vector_load %arg8[%get3A_180, %get3A_181] {strides = array<i32>} : memref<192x128xf32, #tpu.memory_space<vmem>>, vector<1x16xf32>,
      %get3A_183 = vector.shape_cast %get3A_182 : vector<1x16xf32> to vector<16xf32>
      %sub3A_184 = arith.subf %get3A_183, %get3A_38 : vector<16xf32>
      %mul3A_185 = arith.mulf %get3A_143, %sub3A_82 : vector<16xf32>
      %sub3A_186 = arith.subf %sub3A_184, %mul3A_185 : vector<16xf32>
      %mul3A_187 = arith.mulf %sub3A_186, %sub3A_186 : vector<16xf32>
      %add3A_188 = arith.addf %add3A_170, %mul3A_187 : vector<16xf32>
      %get3A_189 = arith.index_cast %scan3A_135 : i32 to index
      %get3A_190 = arith.constant 80 : index
      %get3A_191 = tpu.vector_load %arg8[%get3A_189, %get3A_190] {strides = array<i32>} : memref<192x128xf32, #tpu.memory_space<vmem>>, vector<1x16xf32>,
      %get3A_192 = vector.shape_cast %get3A_191 : vector<1x16xf32> to vector<16xf32>
      %sub3A_193 = arith.subf %get3A_192, %get3A_43 : vector<16xf32>
      %mul3A_194 = arith.mulf %get3A_143, %sub3A_88 : vector<16xf32>
      %sub3A_195 = arith.subf %sub3A_193, %mul3A_194 : vector<16xf32>
      %mul3A_196 = arith.mulf %sub3A_195, %sub3A_195 : vector<16xf32>
      %add3A_197 = arith.addf %add3A_179, %mul3A_196 : vector<16xf32>
      %get3A_198 = arith.index_cast %scan3A_135 : i32 to index
      %get3A_199 = arith.constant 96 : index
      %get3A_200 = tpu.vector_load %arg8[%get3A_198, %get3A_199] {strides = array<i32>} : memref<192x128xf32, #tpu.memory_space<vmem>>, vector<1x16xf32>,
      %get3A_201 = vector.shape_cast %get3A_200 : vector<1x16xf32> to vector<16xf32>
      %sub3A_202 = arith.subf %get3A_201, %get3A_48 : vector<16xf32>
      %mul3A_203 = arith.mulf %get3A_143, %sub3A_94 : vector<16xf32>
      %sub3A_204 = arith.subf %sub3A_202, %mul3A_203 : vector<16xf32>
      %mul3A_205 = arith.mulf %sub3A_204, %sub3A_204 : vector<16xf32>
      %add3A_206 = arith.addf %add3A_188, %mul3A_205 : vector<16xf32>
      %get3A_207 = arith.index_cast %scan3A_135 : i32 to index
      %get3A_208 = arith.constant 112 : index
      %get3A_209 = tpu.vector_load %arg8[%get3A_207, %get3A_208] {strides = array<i32>} : memref<192x128xf32, #tpu.memory_space<vmem>>, vector<1x16xf32>,
      %get3A_210 = vector.shape_cast %get3A_209 : vector<1x16xf32> to vector<16xf32>
      %sub3A_211 = arith.subf %get3A_210, %get3A_53 : vector<16xf32>
      %mul3A_212 = arith.mulf %get3A_143, %sub3A_100 : vector<16xf32>
      %sub3A_213 = arith.subf %sub3A_211, %mul3A_212 : vector<16xf32>
      %mul3A_214 = arith.mulf %sub3A_213, %sub3A_213 : vector<16xf32>
      %add3A_215 = arith.addf %add3A_197, %mul3A_214 : vector<16xf32>
      %scan3A_216 = arith.constant 1 : i32
      %scan3A_217 = arith.addi %scan3A_135, %scan3A_216 : i32
      %add3A_218 = arith.constant 192 : i32
      %add3A_219 = arith.addi %add3A_218, %scan3A_217 : i32
      %get3A_220 = arith.index_cast %add3A_219 : i32 to index
      %get3A_221 = arith.constant 0 : index
      %get3A_222 = tpu.vector_load %arg10[%get3A_220, %get3A_221] {strides = array<i32>} : memref<384x16xf32, #tpu.memory_space<vmem>>, vector<1x16xf32>,
      %get3A_223 = vector.shape_cast %get3A_222 : vector<1x16xf32> to vector<16xf32>
      %get3A_224 = arith.index_cast %scan3A_217 : i32 to index
      %get3A_225 = arith.constant 0 : index
      %get3A_226 = tpu.vector_load %arg8[%get3A_224, %get3A_225] {strides = array<i32>} : memref<192x128xf32, #tpu.memory_space<vmem>>, vector<1x16xf32>,
      %get3A_227 = vector.shape_cast %get3A_226 : vector<1x16xf32> to vector<16xf32>
      %sub3A_228 = arith.subf %get3A_227, %get3A_18 : vector<16xf32>
      %mul3A_229 = arith.mulf %get3A_223, %sub3A : vector<16xf32>
      %sub3A_230 = arith.subf %sub3A_228, %mul3A_229 : vector<16xf32>
      %mul3A_231 = arith.mulf %sub3A_230, %sub3A_230 : vector<16xf32>
      %add3A_232 = arith.addf %add3A_206, %mul3A_231 : vector<16xf32>
      %get3A_233 = arith.index_cast %scan3A_217 : i32 to index
      %get3A_234 = arith.constant 16 : index
      %get3A_235 = tpu.vector_load %arg8[%get3A_233, %get3A_234] {strides = array<i32>} : memref<192x128xf32, #tpu.memory_space<vmem>>, vector<1x16xf32>,
      %get3A_236 = vector.shape_cast %get3A_235 : vector<1x16xf32> to vector<16xf32>
      %sub3A_237 = arith.subf %get3A_236, %get3A_23 : vector<16xf32>
      %mul3A_238 = arith.mulf %get3A_223, %sub3A_64 : vector<16xf32>
      %sub3A_239 = arith.subf %sub3A_237, %mul3A_238 : vector<16xf32>
      %mul3A_240 = arith.mulf %sub3A_239, %sub3A_239 : vector<16xf32>
      %add3A_241 = arith.addf %add3A_215, %mul3A_240 : vector<16xf32>
      %get3A_242 = arith.index_cast %scan3A_217 : i32 to index
      %get3A_243 = arith.constant 32 : index
      %get3A_244 = tpu.vector_load %arg8[%get3A_242, %get3A_243] {strides = array<i32>} : memref<192x128xf32, #tpu.memory_space<vmem>>, vector<1x16xf32>,
      %get3A_245 = vector.shape_cast %get3A_244 : vector<1x16xf32> to vector<16xf32>
      %sub3A_246 = arith.subf %get3A_245, %get3A_28 : vector<16xf32>
      %mul3A_247 = arith.mulf %get3A_223, %sub3A_70 : vector<16xf32>
      %sub3A_248 = arith.subf %sub3A_246, %mul3A_247 : vector<16xf32>
      %mul3A_249 = arith.mulf %sub3A_248, %sub3A_248 : vector<16xf32>
      %add3A_250 = arith.addf %add3A_232, %mul3A_249 : vector<16xf32>
      %get3A_251 = arith.index_cast %scan3A_217 : i32 to index
      %get3A_252 = arith.constant 48 : index
      %get3A_253 = tpu.vector_load %arg8[%get3A_251, %get3A_252] {strides = array<i32>} : memref<192x128xf32, #tpu.memory_space<vmem>>, vector<1x16xf32>,
      %get3A_254 = vector.shape_cast %get3A_253 : vector<1x16xf32> to vector<16xf32>
      %sub3A_255 = arith.subf %get3A_254, %get3A_33 : vector<16xf32>
      %mul3A_256 = arith.mulf %get3A_223, %sub3A_76 : vector<16xf32>
      %sub3A_257 = arith.subf %sub3A_255, %mul3A_256 : vector<16xf32>
      %mul3A_258 = arith.mulf %sub3A_257, %sub3A_257 : vector<16xf32>
      %add3A_259 = arith.addf %add3A_241, %mul3A_258 : vector<16xf32>
      %get3A_260 = arith.index_cast %scan3A_217 : i32 to index
      %get3A_261 = arith.constant 64 : index
      %get3A_262 = tpu.vector_load %arg8[%get3A_260, %get3A_261] {strides = array<i32>} : memref<192x128xf32, #tpu.memory_space<vmem>>, vector<1x16xf32>,
      %get3A_263 = vector.shape_cast %get3A_262 : vector<1x16xf32> to vector<16xf32>
      %sub3A_264 = arith.subf %get3A_263, %get3A_38 : vector<16xf32>
      %mul3A_265 = arith.mulf %get3A_223, %sub3A_82 : vector<16xf32>
      %sub3A_266 = arith.subf %sub3A_264, %mul3A_265 : vector<16xf32>
      %mul3A_267 = arith.mulf %sub3A_266, %sub3A_266 : vector<16xf32>
      %add3A_268 = arith.addf %add3A_250, %mul3A_267 : vector<16xf32>
      %get3A_269 = arith.index_cast %scan3A_217 : i32 to index
      %get3A_270 = arith.constant 80 : index
      %get3A_271 = tpu.vector_load %arg8[%get3A_269, %get3A_270] {strides = array<i32>} : memref<192x128xf32, #tpu.memory_space<vmem>>, vector<1x16xf32>,
      %get3A_272 = vector.shape_cast %get3A_271 : vector<1x16xf32> to vector<16xf32>
      %sub3A_273 = arith.subf %get3A_272, %get3A_43 : vector<16xf32>
      %mul3A_274 = arith.mulf %get3A_223, %sub3A_88 : vector<16xf32>
      %sub3A_275 = arith.subf %sub3A_273, %mul3A_274 : vector<16xf32>
      %mul3A_276 = arith.mulf %sub3A_275, %sub3A_275 : vector<16xf32>
      %add3A_277 = arith.addf %add3A_259, %mul3A_276 : vector<16xf32>
      %get3A_278 = arith.index_cast %scan3A_217 : i32 to index
      %get3A_279 = arith.constant 96 : index
      %get3A_280 = tpu.vector_load %arg8[%get3A_278, %get3A_279] {strides = array<i32>} : memref<192x128xf32, #tpu.memory_space<vmem>>, vector<1x16xf32>,
      %get3A_281 = vector.shape_cast %get3A_280 : vector<1x16xf32> to vector<16xf32>
      %sub3A_282 = arith.subf %get3A_281, %get3A_48 : vector<16xf32>
      %mul3A_283 = arith.mulf %get3A_223, %sub3A_94 : vector<16xf32>
      %sub3A_284 = arith.subf %sub3A_282, %mul3A_283 : vector<16xf32>
      %mul3A_285 = arith.mulf %sub3A_284, %sub3A_284 : vector<16xf32>
      %add3A_286 = arith.addf %add3A_268, %mul3A_285 : vector<16xf32>
      %get3A_287 = arith.index_cast %scan3A_217 : i32 to index
      %get3A_288 = arith.constant 112 : index
      %get3A_289 = tpu.vector_load %arg8[%get3A_287, %get3A_288] {strides = array<i32>} : memref<192x128xf32, #tpu.memory_space<vmem>>, vector<1x16xf32>,
      %get3A_290 = vector.shape_cast %get3A_289 : vector<1x16xf32> to vector<16xf32>
      %sub3A_291 = arith.subf %get3A_290, %get3A_53 : vector<16xf32>
      %mul3A_292 = arith.mulf %get3A_223, %sub3A_100 : vector<16xf32>
      %sub3A_293 = arith.subf %sub3A_291, %mul3A_292 : vector<16xf32>
      %mul3A_294 = arith.mulf %sub3A_293, %sub3A_293 : vector<16xf32>
      %add3A_295 = arith.addf %add3A_277, %mul3A_294 : vector<16xf32>
      %scan3A_296 = arith.constant 2 : i32
      %scan3A_297 = arith.addi %scan3A_135, %scan3A_296 : i32
      %add3A_298 = arith.constant 192 : i32
      %add3A_299 = arith.addi %add3A_298, %scan3A_297 : i32
      %get3A_300 = arith.index_cast %add3A_299 : i32 to index
      %get3A_301 = arith.constant 0 : index
      %get3A_302 = tpu.vector_load %arg10[%get3A_300, %get3A_301] {strides = array<i32>} : memref<384x16xf32, #tpu.memory_space<vmem>>, vector<1x16xf32>,
      %get3A_303 = vector.shape_cast %get3A_302 : vector<1x16xf32> to vector<16xf32>
      %get3A_304 = arith.index_cast %scan3A_297 : i32 to index
      %get3A_305 = arith.constant 0 : index
      %get3A_306 = tpu.vector_load %arg8[%get3A_304, %get3A_305] {strides = array<i32>} : memref<192x128xf32, #tpu.memory_space<vmem>>, vector<1x16xf32>,
      %get3A_307 = vector.shape_cast %get3A_306 : vector<1x16xf32> to vector<16xf32>
      %sub3A_308 = arith.subf %get3A_307, %get3A_18 : vector<16xf32>
      %mul3A_309 = arith.mulf %get3A_303, %sub3A : vector<16xf32>
      %sub3A_310 = arith.subf %sub3A_308, %mul3A_309 : vector<16xf32>
      %mul3A_311 = arith.mulf %sub3A_310, %sub3A_310 : vector<16xf32>
      %add3A_312 = arith.addf %add3A_286, %mul3A_311 : vector<16xf32>
      %get3A_313 = arith.index_cast %scan3A_297 : i32 to index
      %get3A_314 = arith.constant 16 : index
      %get3A_315 = tpu.vector_load %arg8[%get3A_313, %get3A_314] {strides = array<i32>} : memref<192x128xf32, #tpu.memory_space<vmem>>, vector<1x16xf32>,
      %get3A_316 = vector.shape_cast %get3A_315 : vector<1x16xf32> to vector<16xf32>
      %sub3A_317 = arith.subf %get3A_316, %get3A_23 : vector<16xf32>
      %mul3A_318 = arith.mulf %get3A_303, %sub3A_64 : vector<16xf32>
      %sub3A_319 = arith.subf %sub3A_317, %mul3A_318 : vector<16xf32>
      %mul3A_320 = arith.mulf %sub3A_319, %sub3A_319 : vector<16xf32>
      %add3A_321 = arith.addf %add3A_295, %mul3A_320 : vector<16xf32>
      %get3A_322 = arith.index_cast %scan3A_297 : i32 to index
      %get3A_323 = arith.constant 32 : index
      %get3A_324 = tpu.vector_load %arg8[%get3A_322, %get3A_323] {strides = array<i32>} : memref<192x128xf32, #tpu.memory_space<vmem>>, vector<1x16xf32>,
      %get3A_325 = vector.shape_cast %get3A_324 : vector<1x16xf32> to vector<16xf32>
      %sub3A_326 = arith.subf %get3A_325, %get3A_28 : vector<16xf32>
      %mul3A_327 = arith.mulf %get3A_303, %sub3A_70 : vector<16xf32>
      %sub3A_328 = arith.subf %sub3A_326, %mul3A_327 : vector<16xf32>
      %mul3A_329 = arith.mulf %sub3A_328, %sub3A_328 : vector<16xf32>
      %add3A_330 = arith.addf %add3A_312, %mul3A_329 : vector<16xf32>
      %get3A_331 = arith.index_cast %scan3A_297 : i32 to index
      %get3A_332 = arith.constant 48 : index
      %get3A_333 = tpu.vector_load %arg8[%get3A_331, %get3A_332] {strides = array<i32>} : memref<192x128xf32, #tpu.memory_space<vmem>>, vector<1x16xf32>,
      %get3A_334 = vector.shape_cast %get3A_333 : vector<1x16xf32> to vector<16xf32>
      %sub3A_335 = arith.subf %get3A_334, %get3A_33 : vector<16xf32>
      %mul3A_336 = arith.mulf %get3A_303, %sub3A_76 : vector<16xf32>
      %sub3A_337 = arith.subf %sub3A_335, %mul3A_336 : vector<16xf32>
      %mul3A_338 = arith.mulf %sub3A_337, %sub3A_337 : vector<16xf32>
      %add3A_339 = arith.addf %add3A_321, %mul3A_338 : vector<16xf32>
      %get3A_340 = arith.index_cast %scan3A_297 : i32 to index
      %get3A_341 = arith.constant 64 : index
      %get3A_342 = tpu.vector_load %arg8[%get3A_340, %get3A_341] {strides = array<i32>} : memref<192x128xf32, #tpu.memory_space<vmem>>, vector<1x16xf32>,
      %get3A_343 = vector.shape_cast %get3A_342 : vector<1x16xf32> to vector<16xf32>
      %sub3A_344 = arith.subf %get3A_343, %get3A_38 : vector<16xf32>
      %mul3A_345 = arith.mulf %get3A_303, %sub3A_82 : vector<16xf32>
      %sub3A_346 = arith.subf %sub3A_344, %mul3A_345 : vector<16xf32>
      %mul3A_347 = arith.mulf %sub3A_346, %sub3A_346 : vector<16xf32>
      %add3A_348 = arith.addf %add3A_330, %mul3A_347 : vector<16xf32>
      %get3A_349 = arith.index_cast %scan3A_297 : i32 to index
      %get3A_350 = arith.constant 80 : index
      %get3A_351 = tpu.vector_load %arg8[%get3A_349, %get3A_350] {strides = array<i32>} : memref<192x128xf32, #tpu.memory_space<vmem>>, vector<1x16xf32>,
      %get3A_352 = vector.shape_cast %get3A_351 : vector<1x16xf32> to vector<16xf32>
      %sub3A_353 = arith.subf %get3A_352, %get3A_43 : vector<16xf32>
      %mul3A_354 = arith.mulf %get3A_303, %sub3A_88 : vector<16xf32>
      %sub3A_355 = arith.subf %sub3A_353, %mul3A_354 : vector<16xf32>
      %mul3A_356 = arith.mulf %sub3A_355, %sub3A_355 : vector<16xf32>
      %add3A_357 = arith.addf %add3A_339, %mul3A_356 : vector<16xf32>
      %get3A_358 = arith.index_cast %scan3A_297 : i32 to index
      %get3A_359 = arith.constant 96 : index
      %get3A_360 = tpu.vector_load %arg8[%get3A_358, %get3A_359] {strides = array<i32>} : memref<192x128xf32, #tpu.memory_space<vmem>>, vector<1x16xf32>,
      %get3A_361 = vector.shape_cast %get3A_360 : vector<1x16xf32> to vector<16xf32>
      %sub3A_362 = arith.subf %get3A_361, %get3A_48 : vector<16xf32>
      %mul3A_363 = arith.mulf %get3A_303, %sub3A_94 : vector<16xf32>
      %sub3A_364 = arith.subf %sub3A_362, %mul3A_363 : vector<16xf32>
      %mul3A_365 = arith.mulf %sub3A_364, %sub3A_364 : vector<16xf32>
      %add3A_366 = arith.addf %add3A_348, %mul3A_365 : vector<16xf32>
      %get3A_367 = arith.index_cast %scan3A_297 : i32 to index
      %get3A_368 = arith.constant 112 : index
      %get3A_369 = tpu.vector_load %arg8[%get3A_367, %get3A_368] {strides = array<i32>} : memref<192x128xf32, #tpu.memory_space<vmem>>, vector<1x16xf32>,
      %get3A_370 = vector.shape_cast %get3A_369 : vector<1x16xf32> to vector<16xf32>
      %sub3A_371 = arith.subf %get3A_370, %get3A_53 : vector<16xf32>
      %mul3A_372 = arith.mulf %get3A_303, %sub3A_100 : vector<16xf32>
      %sub3A_373 = arith.subf %sub3A_371, %mul3A_372 : vector<16xf32>
      %mul3A_374 = arith.mulf %sub3A_373, %sub3A_373 : vector<16xf32>
      %add3A_375 = arith.addf %add3A_357, %mul3A_374 : vector<16xf32>
      %scan3A_376 = arith.constant 3 : i32
      %scan3A_377 = arith.addi %scan3A_135, %scan3A_376 : i32
      %add3A_378 = arith.constant 192 : i32
      %add3A_379 = arith.addi %add3A_378, %scan3A_377 : i32
      %get3A_380 = arith.index_cast %add3A_379 : i32 to index
      %get3A_381 = arith.constant 0 : index
      %get3A_382 = tpu.vector_load %arg10[%get3A_380, %get3A_381] {strides = array<i32>} : memref<384x16xf32, #tpu.memory_space<vmem>>, vector<1x16xf32>,
      %get3A_383 = vector.shape_cast %get3A_382 : vector<1x16xf32> to vector<16xf32>
      %get3A_384 = arith.index_cast %scan3A_377 : i32 to index
      %get3A_385 = arith.constant 0 : index
      %get3A_386 = tpu.vector_load %arg8[%get3A_384, %get3A_385] {strides = array<i32>} : memref<192x128xf32, #tpu.memory_space<vmem>>, vector<1x16xf32>,
      %get3A_387 = vector.shape_cast %get3A_386 : vector<1x16xf32> to vector<16xf32>
      %sub3A_388 = arith.subf %get3A_387, %get3A_18 : vector<16xf32>
      %mul3A_389 = arith.mulf %get3A_383, %sub3A : vector<16xf32>
      %sub3A_390 = arith.subf %sub3A_388, %mul3A_389 : vector<16xf32>
      %mul3A_391 = arith.mulf %sub3A_390, %sub3A_390 : vector<16xf32>
      %add3A_392 = arith.addf %add3A_366, %mul3A_391 : vector<16xf32>
      %get3A_393 = arith.index_cast %scan3A_377 : i32 to index
      %get3A_394 = arith.constant 16 : index
      %get3A_395 = tpu.vector_load %arg8[%get3A_393, %get3A_394] {strides = array<i32>} : memref<192x128xf32, #tpu.memory_space<vmem>>, vector<1x16xf32>,
      %get3A_396 = vector.shape_cast %get3A_395 : vector<1x16xf32> to vector<16xf32>
      %sub3A_397 = arith.subf %get3A_396, %get3A_23 : vector<16xf32>
      %mul3A_398 = arith.mulf %get3A_383, %sub3A_64 : vector<16xf32>
      %sub3A_399 = arith.subf %sub3A_397, %mul3A_398 : vector<16xf32>
      %mul3A_400 = arith.mulf %sub3A_399, %sub3A_399 : vector<16xf32>
      %add3A_401 = arith.addf %add3A_375, %mul3A_400 : vector<16xf32>
      %get3A_402 = arith.index_cast %scan3A_377 : i32 to index
      %get3A_403 = arith.constant 32 : index
      %get3A_404 = tpu.vector_load %arg8[%get3A_402, %get3A_403] {strides = array<i32>} : memref<192x128xf32, #tpu.memory_space<vmem>>, vector<1x16xf32>,
      %get3A_405 = vector.shape_cast %get3A_404 : vector<1x16xf32> to vector<16xf32>
      %sub3A_406 = arith.subf %get3A_405, %get3A_28 : vector<16xf32>
      %mul3A_407 = arith.mulf %get3A_383, %sub3A_70 : vector<16xf32>
      %sub3A_408 = arith.subf %sub3A_406, %mul3A_407 : vector<16xf32>
      %mul3A_409 = arith.mulf %sub3A_408, %sub3A_408 : vector<16xf32>
      %add3A_410 = arith.addf %add3A_392, %mul3A_409 : vector<16xf32>
      %get3A_411 = arith.index_cast %scan3A_377 : i32 to index
      %get3A_412 = arith.constant 48 : index
      %get3A_413 = tpu.vector_load %arg8[%get3A_411, %get3A_412] {strides = array<i32>} : memref<192x128xf32, #tpu.memory_space<vmem>>, vector<1x16xf32>,
      %get3A_414 = vector.shape_cast %get3A_413 : vector<1x16xf32> to vector<16xf32>
      %sub3A_415 = arith.subf %get3A_414, %get3A_33 : vector<16xf32>
      %mul3A_416 = arith.mulf %get3A_383, %sub3A_76 : vector<16xf32>
      %sub3A_417 = arith.subf %sub3A_415, %mul3A_416 : vector<16xf32>
      %mul3A_418 = arith.mulf %sub3A_417, %sub3A_417 : vector<16xf32>
      %add3A_419 = arith.addf %add3A_401, %mul3A_418 : vector<16xf32>
      %get3A_420 = arith.index_cast %scan3A_377 : i32 to index
      %get3A_421 = arith.constant 64 : index
      %get3A_422 = tpu.vector_load %arg8[%get3A_420, %get3A_421] {strides = array<i32>} : memref<192x128xf32, #tpu.memory_space<vmem>>, vector<1x16xf32>,
      %get3A_423 = vector.shape_cast %get3A_422 : vector<1x16xf32> to vector<16xf32>
      %sub3A_424 = arith.subf %get3A_423, %get3A_38 : vector<16xf32>
      %mul3A_425 = arith.mulf %get3A_383, %sub3A_82 : vector<16xf32>
      %sub3A_426 = arith.subf %sub3A_424, %mul3A_425 : vector<16xf32>
      %mul3A_427 = arith.mulf %sub3A_426, %sub3A_426 : vector<16xf32>
      %add3A_428 = arith.addf %add3A_410, %mul3A_427 : vector<16xf32>
      %get3A_429 = arith.index_cast %scan3A_377 : i32 to index
      %get3A_430 = arith.constant 80 : index
      %get3A_431 = tpu.vector_load %arg8[%get3A_429, %get3A_430] {strides = array<i32>} : memref<192x128xf32, #tpu.memory_space<vmem>>, vector<1x16xf32>,
      %get3A_432 = vector.shape_cast %get3A_431 : vector<1x16xf32> to vector<16xf32>
      %sub3A_433 = arith.subf %get3A_432, %get3A_43 : vector<16xf32>
      %mul3A_434 = arith.mulf %get3A_383, %sub3A_88 : vector<16xf32>
      %sub3A_435 = arith.subf %sub3A_433, %mul3A_434 : vector<16xf32>
      %mul3A_436 = arith.mulf %sub3A_435, %sub3A_435 : vector<16xf32>
      %add3A_437 = arith.addf %add3A_419, %mul3A_436 : vector<16xf32>
      %get3A_438 = arith.index_cast %scan3A_377 : i32 to index
      %get3A_439 = arith.constant 96 : index
      %get3A_440 = tpu.vector_load %arg8[%get3A_438, %get3A_439] {strides = array<i32>} : memref<192x128xf32, #tpu.memory_space<vmem>>, vector<1x16xf32>,
      %get3A_441 = vector.shape_cast %get3A_440 : vector<1x16xf32> to vector<16xf32>
      %sub3A_442 = arith.subf %get3A_441, %get3A_48 : vector<16xf32>
      %mul3A_443 = arith.mulf %get3A_383, %sub3A_94 : vector<16xf32>
      %sub3A_444 = arith.subf %sub3A_442, %mul3A_443 : vector<16xf32>
      %mul3A_445 = arith.mulf %sub3A_444, %sub3A_444 : vector<16xf32>
      %add3A_446 = arith.addf %add3A_428, %mul3A_445 : vector<16xf32>
      %get3A_447 = arith.index_cast %scan3A_377 : i32 to index
      %get3A_448 = arith.constant 112 : index
      %get3A_449 = tpu.vector_load %arg8[%get3A_447, %get3A_448] {strides = array<i32>} : memref<192x128xf32, #tpu.memory_space<vmem>>, vector<1x16xf32>,
      %get3A_450 = vector.shape_cast %get3A_449 : vector<1x16xf32> to vector<16xf32>
      %sub3A_451 = arith.subf %get3A_450, %get3A_53 : vector<16xf32>
      %mul3A_452 = arith.mulf %get3A_383, %sub3A_100 : vector<16xf32>
      %sub3A_453 = arith.subf %sub3A_451, %mul3A_452 : vector<16xf32>
      %mul3A_454 = arith.mulf %sub3A_453, %sub3A_453 : vector<16xf32>
      %add3A_455 = arith.addf %add3A_437, %mul3A_454 : vector<16xf32>
      scf.yield %add3A_446, %add3A_455 : vector<16xf32>, vector<16xf32>
    }
    %scan3A_127 = arith.constant 192 : i32
    %add3A_128 = arith.addf %scan3A_126#0, %scan3A_126#1 : vector<16xf32>
    %mul3A_129 = arith.constant 3.05175781E-5 : f32
    %mul3A_130 = vector.broadcast %mul3A_129 : f32 to vector<16xf32>
    %mul3A_131 = arith.mulf %add3A_128, %mul3A_130 : vector<16xf32>
    %swap3A = arith.constant 0 : index
    %swap3A_132 = tpu.vector_load %arg13[%swap3A] {strides = array<i32>} : memref<16xf32, #tpu.memory_space<vmem>>, vector<16xf32>,
    %swap3A_133 = vector.shape_cast %swap3A_132 : vector<16xf32> to vector<16xf32>
    %swap3A_134 = vector.shape_cast %mul3A_131 : vector<16xf32> to vector<16xf32>
    tpu.vector_store %arg13[%swap3A], %swap3A_134 {strides = array<i32>} : memref<16xf32, #tpu.memory_space<vmem>>, vector<16xf32>,
    "tpu.region"() ({
      %run_scoped3A = tpu.sem_alloc : memref<!tpu.dma_semaphore, #tpu.memory_space<semaphore_mem>>
      %dma_start3A_135 = arith.constant 0 : i32
      %dma_start3A_136 = tpu.memref_slice %arg6[%add3A, %dma_start3A_135] : memref<16x16xf32, #tpu.memory_space<hbm>> -> memref<1x16xf32, #tpu.memory_space<hbm>>
      %dma_start3A_137 = tpu.memref_squeeze %dma_start3A_136 : memref<1x16xf32, #tpu.memory_space<hbm>> -> memref<16xf32, #tpu.memory_space<hbm>>
      %dma_start3A_138 = arith.constant 0 : i32
      %dma_start3A_139 = tpu.memref_slice %arg6[%add3A, %dma_start3A_138] : memref<16x16xf32, #tpu.memory_space<hbm>> -> memref<1x16xf32, #tpu.memory_space<hbm>>
      %dma_start3A_140 = tpu.memref_squeeze %dma_start3A_139 : memref<1x16xf32, #tpu.memory_space<hbm>> -> memref<16xf32, #tpu.memory_space<hbm>>
      tpu.enqueue_dma source(%arg13 : memref<16xf32, #tpu.memory_space<vmem>>) target(%dma_start3A_140 : memref<16xf32, #tpu.memory_space<hbm>>) target_semaphore(%run_scoped3A : memref<!tpu.dma_semaphore, #tpu.memory_space<semaphore_mem>>)
      %dma_wait3A_141 = arith.constant 0 : i32
      %dma_wait3A_142 = tpu.memref_slice %arg6[%add3A, %dma_wait3A_141] : memref<16x16xf32, #tpu.memory_space<hbm>> -> memref<1x16xf32, #tpu.memory_space<hbm>>
      %dma_wait3A_143 = tpu.memref_squeeze %dma_wait3A_142 : memref<1x16xf32, #tpu.memory_space<hbm>> -> memref<16xf32, #tpu.memory_space<hbm>>
      %dma_wait3A_144 = arith.constant 0 : i32
      %dma_wait3A_145 = tpu.memref_slice %arg6[%add3A, %dma_wait3A_144] : memref<16x16xf32, #tpu.memory_space<hbm>> -> memref<1x16xf32, #tpu.memory_space<hbm>>
      %dma_wait3A_146 = tpu.memref_squeeze %dma_wait3A_145 : memref<1x16xf32, #tpu.memory_space<hbm>> -> memref<16xf32, #tpu.memory_space<hbm>>
      tpu.wait_dma2 semaphore(%run_scoped3A : memref<!tpu.dma_semaphore, #tpu.memory_space<semaphore_mem>>) src(%arg13 : memref<16xf32, #tpu.memory_space<vmem>>) dst(%dma_wait3A_146 : memref<16xf32, #tpu.memory_space<hbm>>)
      tpu.yield
    }) : () -> ()
    return
  }
}

module attributes {stable_mosaic.version = 14 : i64} {
  func.func @_tc_body(%arg0: i32, %arg1: memref<2048x128xf32, #tpu.memory_space<vmem>>, %arg2: memref<16x128xi32, #tpu.memory_space<vmem>>, %arg3: memref<1x1xf32, #tpu.memory_space<smem>>, %arg4: memref<1x1xf32, #tpu.memory_space<smem>>, %arg5: memref<1x128xf32, #tpu.memory_space<vmem>>, %arg6: memref<1x128xf32, #tpu.memory_space<vmem>>) attributes {dimension_semantics = [#tpu.dimension_semantics<arbitrary>], iteration_bounds = array<i64: 5>, scalar_prefetch = 0 : i64, scratch_operands = 0 : i64, tpu.core_type = #tpu.core_type<tc>, window_params = [{transform_indices = @transform_0, window_bounds = array<i64: 2048, 128>}, {transform_indices = @transform_1, window_bounds = array<i64: 16, 128>}, {transform_indices = @transform_2, window_bounds = array<i64: 1, 1>}, {transform_indices = @transform_3, window_bounds = array<i64: 1, 1>}, {pipeline_mode = #tpu.pipeline_mode<synchronous>, transform_indices = @transform_4, window_bounds = array<i64: 1, 128>}, {pipeline_mode = #tpu.pipeline_mode<synchronous>, transform_indices = @transform_5, window_bounds = array<i64: 1, 128>}]} {
    %get3A = arith.constant 0 : index
    %get3A_0 = arith.constant 0 : index
    %get3A_1 = vector.load %arg1[%get3A, %get3A_0] : memref<2048x128xf32, #tpu.memory_space<vmem>>, vector<2048x128xf32>
    %get3A_2 = arith.constant 0 : index
    %get3A_3 = arith.constant 0 : index
    %get3A_4 = vector.load %arg2[%get3A_2, %get3A_3] : memref<16x128xi32, #tpu.memory_space<vmem>>, vector<16x128xi32>
    %convert_element_type3A = arith.sitofp %get3A_4 : vector<16x128xi32> to vector<16x128xf32>
    %eq3A = arith.constant 0 : i32
    %eq3A_5 = arith.cmpi eq, %arg0, %eq3A : i32
    %convert_element_type3A_6 = arith.extui %eq3A_5 : i1 to i32
    %cond3A = arith.constant 0 : i32
    %cond3A_7 = arith.cmpi ne, %convert_element_type3A_6, %cond3A : i32
    scf.if %cond3A_7 {
      %swap3A_140 = arith.constant 0.000000e+00 : f32
      %swap3A_141 = arith.constant 0 : index
      %swap3A_142 = arith.constant 0 : index
      %swap3A_143 = memref.load %arg3[%swap3A_141, %swap3A_142] : memref<1x1xf32, #tpu.memory_space<smem>>
      memref.store %swap3A_140, %arg3[%swap3A_141, %swap3A_142] : memref<1x1xf32, #tpu.memory_space<smem>>
      %swap3A_144 = arith.constant 0.000000e+00 : f32
      %swap3A_145 = arith.constant 0 : index
      %swap3A_146 = arith.constant 0 : index
      %swap3A_147 = memref.load %arg4[%swap3A_145, %swap3A_146] : memref<1x1xf32, #tpu.memory_space<smem>>
      memref.store %swap3A_144, %arg4[%swap3A_145, %swap3A_146] : memref<1x1xf32, #tpu.memory_space<smem>>
      %broadcast_in_dim3A_148 = arith.constant 0.000000e+00 : f32
      %broadcast_in_dim3A_149 = vector.broadcast %broadcast_in_dim3A_148 : f32 to vector<1x128xf32>
      %swap3A_150 = arith.constant 0 : index
      %swap3A_151 = arith.constant 0 : index
      %swap3A_152 = vector.load %arg5[%swap3A_150, %swap3A_151] : memref<1x128xf32, #tpu.memory_space<vmem>>, vector<1x128xf32>
      tpu.vector_store %arg5[%swap3A_150, %swap3A_151], %broadcast_in_dim3A_149 {strides = array<i32>} : memref<1x128xf32, #tpu.memory_space<vmem>>, vector<1x128xf32>,
      %broadcast_in_dim3A_153 = arith.constant 0.000000e+00 : f32
      %broadcast_in_dim3A_154 = vector.broadcast %broadcast_in_dim3A_153 : f32 to vector<1x128xf32>
      %swap3A_155 = arith.constant 0 : index
      %swap3A_156 = arith.constant 0 : index
      %swap3A_157 = vector.load %arg6[%swap3A_155, %swap3A_156] : memref<1x128xf32, #tpu.memory_space<vmem>>, vector<1x128xf32>
      tpu.vector_store %arg6[%swap3A_155, %swap3A_156], %broadcast_in_dim3A_154 {strides = array<i32>} : memref<1x128xf32, #tpu.memory_space<vmem>>, vector<1x128xf32>,
    } else {
    }
    %get3A_8 = arith.constant 0 : index
    %get3A_9 = arith.constant 0 : index
    %get3A_10 = memref.load %arg3[%get3A_8, %get3A_9] : memref<1x1xf32, #tpu.memory_space<smem>>
    %mul3A = arith.mulf %get3A_1, %get3A_1 : vector<2048x128xf32>
    %reduce_sum3A = vector.shape_cast %mul3A : vector<2048x128xf32> to vector<1x2048x128xf32>
    %reduce_sum3A_11 = arith.constant dense<0.000000e+00> : vector<1xf32>
    %reduce_sum3A_12 = vector.multi_reduction <add>, %reduce_sum3A, %reduce_sum3A_11 [1, 2] : vector<1x2048x128xf32> to vector<1xf32>
    %reduce_sum3A_13 = vector.shape_cast %reduce_sum3A_12 : vector<1xf32> to vector<1x1x1xf32>
    %reduce_sum3A_14 = vector.extract %reduce_sum3A_13[0, 0, 0] : f32 from vector<1x1x1xf32>
    %add3A = arith.addf %get3A_10, %reduce_sum3A_14 : f32
    %swap3A = arith.constant 0 : index
    %swap3A_15 = arith.constant 0 : index
    %swap3A_16 = memref.load %arg3[%swap3A, %swap3A_15] : memref<1x1xf32, #tpu.memory_space<smem>>
    memref.store %add3A, %arg3[%swap3A, %swap3A_15] : memref<1x1xf32, #tpu.memory_space<smem>>
    %get3A_17 = arith.constant 0 : index
    %get3A_18 = arith.constant 0 : index
    %get3A_19 = memref.load %arg4[%get3A_17, %get3A_18] : memref<1x1xf32, #tpu.memory_space<smem>>
    %reduce_sum3A_20 = vector.shape_cast %convert_element_type3A : vector<16x128xf32> to vector<1x16x128xf32>
    %reduce_sum3A_21 = arith.constant dense<0.000000e+00> : vector<1xf32>
    %reduce_sum3A_22 = vector.multi_reduction <add>, %reduce_sum3A_20, %reduce_sum3A_21 [1, 2] : vector<1x16x128xf32> to vector<1xf32>
    %reduce_sum3A_23 = vector.shape_cast %reduce_sum3A_22 : vector<1xf32> to vector<1x1x1xf32>
    %reduce_sum3A_24 = vector.extract %reduce_sum3A_23[0, 0, 0] : f32 from vector<1x1x1xf32>
    %add3A_25 = arith.addf %get3A_19, %reduce_sum3A_24 : f32
    %swap3A_26 = arith.constant 0 : index
    %swap3A_27 = arith.constant 0 : index
    %swap3A_28 = memref.load %arg4[%swap3A_26, %swap3A_27] : memref<1x1xf32, #tpu.memory_space<smem>>
    memref.store %add3A_25, %arg4[%swap3A_26, %swap3A_27] : memref<1x1xf32, #tpu.memory_space<smem>>
    %get3A_29 = arith.constant 0 : index
    %get3A_30 = arith.constant 0 : index
    %get3A_31 = vector.load %arg5[%get3A_29, %get3A_30] : memref<1x128xf32, #tpu.memory_space<vmem>>, vector<1x128xf32>
    %reduce_sum3A_32 = arith.constant dense<0.000000e+00> : vector<128xf32>
    %reduce_sum3A_33 = vector.multi_reduction <add>, %get3A_1, %reduce_sum3A_32 [0] : vector<2048x128xf32> to vector<128xf32>
    %broadcast_in_dim3A = vector.shape_cast %reduce_sum3A_33 : vector<128xf32> to vector<1x128xf32>
    %add3A_34 = arith.addf %get3A_31, %broadcast_in_dim3A : vector<1x128xf32>
    %swap3A_35 = arith.constant 0 : index
    %swap3A_36 = arith.constant 0 : index
    %swap3A_37 = vector.load %arg5[%swap3A_35, %swap3A_36] : memref<1x128xf32, #tpu.memory_space<vmem>>, vector<1x128xf32>
    tpu.vector_store %arg5[%swap3A_35, %swap3A_36], %add3A_34 {strides = array<i32>} : memref<1x128xf32, #tpu.memory_space<vmem>>, vector<1x128xf32>,
    %reshape3A = vector.shape_cast %get3A_1 : vector<2048x128xf32> to vector<16x128x128xf32>
    %broadcast_in_dim3A_38 = arith.constant 0.000000e+00 : f32
    %broadcast_in_dim3A_39 = vector.broadcast %broadcast_in_dim3A_38 : f32 to vector<1x128xf32>
    %slice3A = vector.extract_strided_slice %convert_element_type3A {offsets = [0, 0], sizes = [1, 128], strides = [1, 1]} : vector<16x128xf32> to vector<1x128xf32>
    %slice3A_40 = vector.extract_strided_slice %reshape3A {offsets = [0, 0, 0], sizes = [1, 128, 128], strides = [1, 1, 1]} : vector<16x128x128xf32> to vector<1x128x128xf32>
    %squeeze3A = vector.shape_cast %slice3A_40 : vector<1x128x128xf32> to vector<128x128xf32>
    %dot_general3A = arith.constant dense<0.000000e+00> : vector<1x128xf32>
    %dot_general3A_41 = tpu.matmul %slice3A, %squeeze3A, %dot_general3A {dimension_numbers = #tpu.dot_dimension_numbers<[1], [0], [0], [1], [0, 0, 1, 1], [], []>, transpose_lhs_hint = false} : vector<1x128xf32>, vector<128x128xf32>, vector<1x128xf32> -> vector<1x128xf32>
    %add3A_42 = arith.addf %broadcast_in_dim3A_39, %dot_general3A_41 : vector<1x128xf32>
    %slice3A_43 = vector.extract_strided_slice %convert_element_type3A {offsets = [1, 0], sizes = [1, 128], strides = [1, 1]} : vector<16x128xf32> to vector<1x128xf32>
    %slice3A_44 = vector.extract_strided_slice %reshape3A {offsets = [1, 0, 0], sizes = [1, 128, 128], strides = [1, 1, 1]} : vector<16x128x128xf32> to vector<1x128x128xf32>
    %squeeze3A_45 = vector.shape_cast %slice3A_44 : vector<1x128x128xf32> to vector<128x128xf32>
    %dot_general3A_46 = arith.constant dense<0.000000e+00> : vector<1x128xf32>
    %dot_general3A_47 = tpu.matmul %slice3A_43, %squeeze3A_45, %dot_general3A_46 {dimension_numbers = #tpu.dot_dimension_numbers<[1], [0], [0], [1], [0, 0, 1, 1], [], []>, transpose_lhs_hint = false} : vector<1x128xf32>, vector<128x128xf32>, vector<1x128xf32> -> vector<1x128xf32>
    %add3A_48 = arith.addf %add3A_42, %dot_general3A_47 : vector<1x128xf32>
    %slice3A_49 = vector.extract_strided_slice %convert_element_type3A {offsets = [2, 0], sizes = [1, 128], strides = [1, 1]} : vector<16x128xf32> to vector<1x128xf32>
    %slice3A_50 = vector.extract_strided_slice %reshape3A {offsets = [2, 0, 0], sizes = [1, 128, 128], strides = [1, 1, 1]} : vector<16x128x128xf32> to vector<1x128x128xf32>
    %squeeze3A_51 = vector.shape_cast %slice3A_50 : vector<1x128x128xf32> to vector<128x128xf32>
    %dot_general3A_52 = arith.constant dense<0.000000e+00> : vector<1x128xf32>
    %dot_general3A_53 = tpu.matmul %slice3A_49, %squeeze3A_51, %dot_general3A_52 {dimension_numbers = #tpu.dot_dimension_numbers<[1], [0], [0], [1], [0, 0, 1, 1], [], []>, transpose_lhs_hint = false} : vector<1x128xf32>, vector<128x128xf32>, vector<1x128xf32> -> vector<1x128xf32>
    %add3A_54 = arith.addf %add3A_48, %dot_general3A_53 : vector<1x128xf32>
    %slice3A_55 = vector.extract_strided_slice %convert_element_type3A {offsets = [3, 0], sizes = [1, 128], strides = [1, 1]} : vector<16x128xf32> to vector<1x128xf32>
    %slice3A_56 = vector.extract_strided_slice %reshape3A {offsets = [3, 0, 0], sizes = [1, 128, 128], strides = [1, 1, 1]} : vector<16x128x128xf32> to vector<1x128x128xf32>
    %squeeze3A_57 = vector.shape_cast %slice3A_56 : vector<1x128x128xf32> to vector<128x128xf32>
    %dot_general3A_58 = arith.constant dense<0.000000e+00> : vector<1x128xf32>
    %dot_general3A_59 = tpu.matmul %slice3A_55, %squeeze3A_57, %dot_general3A_58 {dimension_numbers = #tpu.dot_dimension_numbers<[1], [0], [0], [1], [0, 0, 1, 1], [], []>, transpose_lhs_hint = false} : vector<1x128xf32>, vector<128x128xf32>, vector<1x128xf32> -> vector<1x128xf32>
    %add3A_60 = arith.addf %add3A_54, %dot_general3A_59 : vector<1x128xf32>
    %slice3A_61 = vector.extract_strided_slice %convert_element_type3A {offsets = [4, 0], sizes = [1, 128], strides = [1, 1]} : vector<16x128xf32> to vector<1x128xf32>
    %slice3A_62 = vector.extract_strided_slice %reshape3A {offsets = [4, 0, 0], sizes = [1, 128, 128], strides = [1, 1, 1]} : vector<16x128x128xf32> to vector<1x128x128xf32>
    %squeeze3A_63 = vector.shape_cast %slice3A_62 : vector<1x128x128xf32> to vector<128x128xf32>
    %dot_general3A_64 = arith.constant dense<0.000000e+00> : vector<1x128xf32>
    %dot_general3A_65 = tpu.matmul %slice3A_61, %squeeze3A_63, %dot_general3A_64 {dimension_numbers = #tpu.dot_dimension_numbers<[1], [0], [0], [1], [0, 0, 1, 1], [], []>, transpose_lhs_hint = false} : vector<1x128xf32>, vector<128x128xf32>, vector<1x128xf32> -> vector<1x128xf32>
    %add3A_66 = arith.addf %add3A_60, %dot_general3A_65 : vector<1x128xf32>
    %slice3A_67 = vector.extract_strided_slice %convert_element_type3A {offsets = [5, 0], sizes = [1, 128], strides = [1, 1]} : vector<16x128xf32> to vector<1x128xf32>
    %slice3A_68 = vector.extract_strided_slice %reshape3A {offsets = [5, 0, 0], sizes = [1, 128, 128], strides = [1, 1, 1]} : vector<16x128x128xf32> to vector<1x128x128xf32>
    %squeeze3A_69 = vector.shape_cast %slice3A_68 : vector<1x128x128xf32> to vector<128x128xf32>
    %dot_general3A_70 = arith.constant dense<0.000000e+00> : vector<1x128xf32>
    %dot_general3A_71 = tpu.matmul %slice3A_67, %squeeze3A_69, %dot_general3A_70 {dimension_numbers = #tpu.dot_dimension_numbers<[1], [0], [0], [1], [0, 0, 1, 1], [], []>, transpose_lhs_hint = false} : vector<1x128xf32>, vector<128x128xf32>, vector<1x128xf32> -> vector<1x128xf32>
    %add3A_72 = arith.addf %add3A_66, %dot_general3A_71 : vector<1x128xf32>
    %slice3A_73 = vector.extract_strided_slice %convert_element_type3A {offsets = [6, 0], sizes = [1, 128], strides = [1, 1]} : vector<16x128xf32> to vector<1x128xf32>
    %slice3A_74 = vector.extract_strided_slice %reshape3A {offsets = [6, 0, 0], sizes = [1, 128, 128], strides = [1, 1, 1]} : vector<16x128x128xf32> to vector<1x128x128xf32>
    %squeeze3A_75 = vector.shape_cast %slice3A_74 : vector<1x128x128xf32> to vector<128x128xf32>
    %dot_general3A_76 = arith.constant dense<0.000000e+00> : vector<1x128xf32>
    %dot_general3A_77 = tpu.matmul %slice3A_73, %squeeze3A_75, %dot_general3A_76 {dimension_numbers = #tpu.dot_dimension_numbers<[1], [0], [0], [1], [0, 0, 1, 1], [], []>, transpose_lhs_hint = false} : vector<1x128xf32>, vector<128x128xf32>, vector<1x128xf32> -> vector<1x128xf32>
    %add3A_78 = arith.addf %add3A_72, %dot_general3A_77 : vector<1x128xf32>
    %slice3A_79 = vector.extract_strided_slice %convert_element_type3A {offsets = [7, 0], sizes = [1, 128], strides = [1, 1]} : vector<16x128xf32> to vector<1x128xf32>
    %slice3A_80 = vector.extract_strided_slice %reshape3A {offsets = [7, 0, 0], sizes = [1, 128, 128], strides = [1, 1, 1]} : vector<16x128x128xf32> to vector<1x128x128xf32>
    %squeeze3A_81 = vector.shape_cast %slice3A_80 : vector<1x128x128xf32> to vector<128x128xf32>
    %dot_general3A_82 = arith.constant dense<0.000000e+00> : vector<1x128xf32>
    %dot_general3A_83 = tpu.matmul %slice3A_79, %squeeze3A_81, %dot_general3A_82 {dimension_numbers = #tpu.dot_dimension_numbers<[1], [0], [0], [1], [0, 0, 1, 1], [], []>, transpose_lhs_hint = false} : vector<1x128xf32>, vector<128x128xf32>, vector<1x128xf32> -> vector<1x128xf32>
    %add3A_84 = arith.addf %add3A_78, %dot_general3A_83 : vector<1x128xf32>
    %slice3A_85 = vector.extract_strided_slice %convert_element_type3A {offsets = [8, 0], sizes = [1, 128], strides = [1, 1]} : vector<16x128xf32> to vector<1x128xf32>
    %slice3A_86 = vector.extract_strided_slice %reshape3A {offsets = [8, 0, 0], sizes = [1, 128, 128], strides = [1, 1, 1]} : vector<16x128x128xf32> to vector<1x128x128xf32>
    %squeeze3A_87 = vector.shape_cast %slice3A_86 : vector<1x128x128xf32> to vector<128x128xf32>
    %dot_general3A_88 = arith.constant dense<0.000000e+00> : vector<1x128xf32>
    %dot_general3A_89 = tpu.matmul %slice3A_85, %squeeze3A_87, %dot_general3A_88 {dimension_numbers = #tpu.dot_dimension_numbers<[1], [0], [0], [1], [0, 0, 1, 1], [], []>, transpose_lhs_hint = false} : vector<1x128xf32>, vector<128x128xf32>, vector<1x128xf32> -> vector<1x128xf32>
    %add3A_90 = arith.addf %add3A_84, %dot_general3A_89 : vector<1x128xf32>
    %slice3A_91 = vector.extract_strided_slice %convert_element_type3A {offsets = [9, 0], sizes = [1, 128], strides = [1, 1]} : vector<16x128xf32> to vector<1x128xf32>
    %slice3A_92 = vector.extract_strided_slice %reshape3A {offsets = [9, 0, 0], sizes = [1, 128, 128], strides = [1, 1, 1]} : vector<16x128x128xf32> to vector<1x128x128xf32>
    %squeeze3A_93 = vector.shape_cast %slice3A_92 : vector<1x128x128xf32> to vector<128x128xf32>
    %dot_general3A_94 = arith.constant dense<0.000000e+00> : vector<1x128xf32>
    %dot_general3A_95 = tpu.matmul %slice3A_91, %squeeze3A_93, %dot_general3A_94 {dimension_numbers = #tpu.dot_dimension_numbers<[1], [0], [0], [1], [0, 0, 1, 1], [], []>, transpose_lhs_hint = false} : vector<1x128xf32>, vector<128x128xf32>, vector<1x128xf32> -> vector<1x128xf32>
    %add3A_96 = arith.addf %add3A_90, %dot_general3A_95 : vector<1x128xf32>
    %slice3A_97 = vector.extract_strided_slice %convert_element_type3A {offsets = [10, 0], sizes = [1, 128], strides = [1, 1]} : vector<16x128xf32> to vector<1x128xf32>
    %slice3A_98 = vector.extract_strided_slice %reshape3A {offsets = [10, 0, 0], sizes = [1, 128, 128], strides = [1, 1, 1]} : vector<16x128x128xf32> to vector<1x128x128xf32>
    %squeeze3A_99 = vector.shape_cast %slice3A_98 : vector<1x128x128xf32> to vector<128x128xf32>
    %dot_general3A_100 = arith.constant dense<0.000000e+00> : vector<1x128xf32>
    %dot_general3A_101 = tpu.matmul %slice3A_97, %squeeze3A_99, %dot_general3A_100 {dimension_numbers = #tpu.dot_dimension_numbers<[1], [0], [0], [1], [0, 0, 1, 1], [], []>, transpose_lhs_hint = false} : vector<1x128xf32>, vector<128x128xf32>, vector<1x128xf32> -> vector<1x128xf32>
    %add3A_102 = arith.addf %add3A_96, %dot_general3A_101 : vector<1x128xf32>
    %slice3A_103 = vector.extract_strided_slice %convert_element_type3A {offsets = [11, 0], sizes = [1, 128], strides = [1, 1]} : vector<16x128xf32> to vector<1x128xf32>
    %slice3A_104 = vector.extract_strided_slice %reshape3A {offsets = [11, 0, 0], sizes = [1, 128, 128], strides = [1, 1, 1]} : vector<16x128x128xf32> to vector<1x128x128xf32>
    %squeeze3A_105 = vector.shape_cast %slice3A_104 : vector<1x128x128xf32> to vector<128x128xf32>
    %dot_general3A_106 = arith.constant dense<0.000000e+00> : vector<1x128xf32>
    %dot_general3A_107 = tpu.matmul %slice3A_103, %squeeze3A_105, %dot_general3A_106 {dimension_numbers = #tpu.dot_dimension_numbers<[1], [0], [0], [1], [0, 0, 1, 1], [], []>, transpose_lhs_hint = false} : vector<1x128xf32>, vector<128x128xf32>, vector<1x128xf32> -> vector<1x128xf32>
    %add3A_108 = arith.addf %add3A_102, %dot_general3A_107 : vector<1x128xf32>
    %slice3A_109 = vector.extract_strided_slice %convert_element_type3A {offsets = [12, 0], sizes = [1, 128], strides = [1, 1]} : vector<16x128xf32> to vector<1x128xf32>
    %slice3A_110 = vector.extract_strided_slice %reshape3A {offsets = [12, 0, 0], sizes = [1, 128, 128], strides = [1, 1, 1]} : vector<16x128x128xf32> to vector<1x128x128xf32>
    %squeeze3A_111 = vector.shape_cast %slice3A_110 : vector<1x128x128xf32> to vector<128x128xf32>
    %dot_general3A_112 = arith.constant dense<0.000000e+00> : vector<1x128xf32>
    %dot_general3A_113 = tpu.matmul %slice3A_109, %squeeze3A_111, %dot_general3A_112 {dimension_numbers = #tpu.dot_dimension_numbers<[1], [0], [0], [1], [0, 0, 1, 1], [], []>, transpose_lhs_hint = false} : vector<1x128xf32>, vector<128x128xf32>, vector<1x128xf32> -> vector<1x128xf32>
    %add3A_114 = arith.addf %add3A_108, %dot_general3A_113 : vector<1x128xf32>
    %slice3A_115 = vector.extract_strided_slice %convert_element_type3A {offsets = [13, 0], sizes = [1, 128], strides = [1, 1]} : vector<16x128xf32> to vector<1x128xf32>
    %slice3A_116 = vector.extract_strided_slice %reshape3A {offsets = [13, 0, 0], sizes = [1, 128, 128], strides = [1, 1, 1]} : vector<16x128x128xf32> to vector<1x128x128xf32>
    %squeeze3A_117 = vector.shape_cast %slice3A_116 : vector<1x128x128xf32> to vector<128x128xf32>
    %dot_general3A_118 = arith.constant dense<0.000000e+00> : vector<1x128xf32>
    %dot_general3A_119 = tpu.matmul %slice3A_115, %squeeze3A_117, %dot_general3A_118 {dimension_numbers = #tpu.dot_dimension_numbers<[1], [0], [0], [1], [0, 0, 1, 1], [], []>, transpose_lhs_hint = false} : vector<1x128xf32>, vector<128x128xf32>, vector<1x128xf32> -> vector<1x128xf32>
    %add3A_120 = arith.addf %add3A_114, %dot_general3A_119 : vector<1x128xf32>
    %slice3A_121 = vector.extract_strided_slice %convert_element_type3A {offsets = [14, 0], sizes = [1, 128], strides = [1, 1]} : vector<16x128xf32> to vector<1x128xf32>
    %slice3A_122 = vector.extract_strided_slice %reshape3A {offsets = [14, 0, 0], sizes = [1, 128, 128], strides = [1, 1, 1]} : vector<16x128x128xf32> to vector<1x128x128xf32>
    %squeeze3A_123 = vector.shape_cast %slice3A_122 : vector<1x128x128xf32> to vector<128x128xf32>
    %dot_general3A_124 = arith.constant dense<0.000000e+00> : vector<1x128xf32>
    %dot_general3A_125 = tpu.matmul %slice3A_121, %squeeze3A_123, %dot_general3A_124 {dimension_numbers = #tpu.dot_dimension_numbers<[1], [0], [0], [1], [0, 0, 1, 1], [], []>, transpose_lhs_hint = false} : vector<1x128xf32>, vector<128x128xf32>, vector<1x128xf32> -> vector<1x128xf32>
    %add3A_126 = arith.addf %add3A_120, %dot_general3A_125 : vector<1x128xf32>
    %slice3A_127 = vector.extract_strided_slice %convert_element_type3A {offsets = [15, 0], sizes = [1, 128], strides = [1, 1]} : vector<16x128xf32> to vector<1x128xf32>
    %slice3A_128 = vector.extract_strided_slice %reshape3A {offsets = [15, 0, 0], sizes = [1, 128, 128], strides = [1, 1, 1]} : vector<16x128x128xf32> to vector<1x128x128xf32>
    %squeeze3A_129 = vector.shape_cast %slice3A_128 : vector<1x128x128xf32> to vector<128x128xf32>
    %dot_general3A_130 = arith.constant dense<0.000000e+00> : vector<1x128xf32>
    %dot_general3A_131 = tpu.matmul %slice3A_127, %squeeze3A_129, %dot_general3A_130 {dimension_numbers = #tpu.dot_dimension_numbers<[1], [0], [0], [1], [0, 0, 1, 1], [], []>, transpose_lhs_hint = false} : vector<1x128xf32>, vector<128x128xf32>, vector<1x128xf32> -> vector<1x128xf32>
    %add3A_132 = arith.addf %add3A_126, %dot_general3A_131 : vector<1x128xf32>
    %get3A_133 = arith.constant 0 : index
    %get3A_134 = arith.constant 0 : index
    %get3A_135 = vector.load %arg6[%get3A_133, %get3A_134] : memref<1x128xf32, #tpu.memory_space<vmem>>, vector<1x128xf32>
    %add3A_136 = arith.addf %get3A_135, %add3A_132 : vector<1x128xf32>
    %swap3A_137 = arith.constant 0 : index
    %swap3A_138 = arith.constant 0 : index
    %swap3A_139 = vector.load %arg6[%swap3A_137, %swap3A_138] : memref<1x128xf32, #tpu.memory_space<vmem>>, vector<1x128xf32>
    tpu.vector_store %arg6[%swap3A_137, %swap3A_138], %add3A_136 {strides = array<i32>} : memref<1x128xf32, #tpu.memory_space<vmem>>, vector<1x128xf32>,
    return
  }
  func.func @transform_0(%arg0: i32) -> (i32, i32) {
    %add3A = arith.constant 3 : i32
    %add3A_0 = arith.addi %arg0, %add3A : i32
    %c0_i32 = arith.constant 0 : i32
    %c0_i32_1 = arith.constant 0 : i32
    return %add3A_0, %c0_i32 : i32, i32
  }
  func.func @transform_1(%arg0: i32) -> (i32, i32) {
    %add3A = arith.constant 3 : i32
    %add3A_0 = arith.addi %arg0, %add3A : i32
    %c0_i32 = arith.constant 0 : i32
    %c0_i32_1 = arith.constant 0 : i32
    return %add3A_0, %c0_i32 : i32, i32
  }
  func.func @transform_2(%arg0: i32) -> (i32, i32) {
    %c0_i32 = arith.constant 0 : i32
    %c0_i32_0 = arith.constant 0 : i32
    %c0_i32_1 = arith.constant 0 : i32
    return %c0_i32, %c0_i32_0 : i32, i32
  }
  func.func @transform_3(%arg0: i32) -> (i32, i32) {
    %c0_i32 = arith.constant 0 : i32
    %c0_i32_0 = arith.constant 0 : i32
    %c0_i32_1 = arith.constant 0 : i32
    return %c0_i32, %c0_i32_0 : i32, i32
  }
  func.func @transform_4(%arg0: i32) -> (i32, i32) {
    %c0_i32 = arith.constant 0 : i32
    %c0_i32_0 = arith.constant 0 : i32
    %c0_i32_1 = arith.constant 0 : i32
    return %c0_i32, %c0_i32_0 : i32, i32
  }
  func.func @transform_5(%arg0: i32) -> (i32, i32) {
    %c0_i32 = arith.constant 0 : i32
    %c0_i32_0 = arith.constant 0 : i32
    %c0_i32_1 = arith.constant 0 : i32
    return %c0_i32, %c0_i32_0 : i32, i32
  }
}

</mosaic_0001>

<sc_bundles>
// kernel: kernel.4.cloned.1.call-start
scs
__scs_entry_jumppad:
0x0: {  	(pc) =	sbr.rel $0x88, $3  }
0x1: {  	(tag) =	ssettag $0x0;
	lr =	simm.s32 $0x1  }
0x2: {  	[smem:$0x3F9D] =	sst lr;
	_ =	strace $0xD0000000  }
0x3: {  	_ = 	snop  }
0x4: {  	_ = 	snop  }
0x5: {  	_ = 	snop  }
0x6: {  	_ = 	snop  }
0x7: {  	_ = 	snop  }
__scs_overlays_trampoline_lowered:
0x8: {  	[smem:$0x3FAC] =	sst s0  }
0x9: {  	[smem:$0x3FAD] =	sst s1  }
0xa: {  	[smem:$0x3FAE] =	sst s2  }
0xb: {  	[smem:$0x3FAF] =	sst s3  }
0xc: {  	[smem:$0x3FB0] =	sst s4  }
0xd: {  	[smem:$0x3FB1] =	sst s5  }
0xe: {  	[smem:$0x3FB2] =	sst s6  }
0xf: {  	[smem:$0x3FB3] =	sst s7  }
0x10: {  	[smem:$0x3FB4] =	sst s8  }
0x11: {  	[smem:$0x3FB5] =	sst s9;
	s0 =	simm.s32 @!p0 $0x0  }
0x12: {  	s1 =	sld [smem:$0x3F9B];
	s0 =	simm.s32 @p0 $0x1  }
0x13: {  	[smem:$0x3FB6] =	sst s0;
	s0 =	simm.s32 @!p1 $0x0  }
0x14: {  	s2 =	sld [smem:$0x3F9A];
	s0 =	simm.s32 @p1 $0x1  }
0x15: {  	[smem:$0x3FB7] =	sst s0;
	s0 =	simm.s32 @!p2 $0x0  }
0x16: {  	s3 =	sld [smem:$0x3FDB];
	s0 =	simm.s32 @p2 $0x1  }
0x17: {  	s4 =	simm.s32 $0x1BF5;
	[smem:$0x3FB9] =	sst s0  }
0x18: {  	s0 =	sld [smem:$0x3F9C];
	_ =	swait.ge [sflag:s4], $0x0  }
0x19: {  	s7 =	sld [smem:$0x3F9D]  }
0x1a: {  	s8 =	sadd.s32 $0xFFFFE003, lr  }
0x1b: {  	s9 =	sadd.s32 $0xFFFFFEF7, lr;
	s5 =	simm.s32 $0xFFFFFFFF;
	p2 =	slt.u32 s8, $0xFFFFF086  }
0x1c: {  	p1 =	slt.u32 s9, $0xF7A;
	s5 =	simm.s32 @!p2 $0x0  }
0x1d: {  	s5 =	simm.s32 @p1 $0x1;
	p0 =	seq.s32 s7, s2  }
0x1e: {  	s7 =	smul.u32 @!p0 $0xF7A, s2;
	p2 =	seq.s32 @!p0 s5, $0x0  }
0x1f: {  	s9 =	smul.u32 $0xF7A, s1;
	s8 =	simm.s32 @!p0 $0x1BF5;
	p2 =	por !p2, p0  }
0x20: {  	[sflag:s8] =	ssyncset.s32 @!p0 $0xFFFFF086;
	s6 =	sadd.s32 @!p0 s3, s7;
	s7 =	simm.s32 @!p0 $0x108  }
0x21: {  	s3 =	sadd.s32 s3, s9;
	s6 =	sadd.s32 @!p0 $0x88, s6;
	s7 =	simm.s32 @p2 $0x1082  }
0x22: {  	[simem:s7], [sflag:s8] =	dma.local @!p0 [hbm:s6], $0xF7A  }
0x23: {  	s9 =	sor.u32 $0xD0000000, s2;
	s6 =	simm.s32 $0x108;
	_ =	swait.ge @!p0 [sflag:s8], $0x0  }
0x24: {  	s3 =	sadd.s32 $0x88, s3;
	s6 =	simm.s32 @!p1 $0x1082;
	[sflag:s4] =	ssyncset.s32 $0xFFFFF086  }
0x25: {  	[simem:s6], [sflag:s4] =	dma.local [hbm:s3], $0xF7A  }
0x26: {  	[smem:$0x3F9D] =	sst s1;
	(tag) =	ssettag s2;
	_ =	strace s9  }
0x27: {  	s1 =	sld [smem:$0x3FAD]  }
0x28: {  	s2 =	sld [smem:$0x3FAE]  }
0x29: {  	s4 =	sld [smem:$0x3FB0]  }
0x2a: {  	p0 =	seq.s32 s5, $0x0;
	s5 =	sld [smem:$0x3FB1]  }
0x2b: {  	s6 =	sld [smem:$0x3FB2]  }
0x2c: {  	s7 =	sld [smem:$0x3FB3]  }
0x2d: {  	s3 =	simm.s32 $0x108;
	s8 =	sld [smem:$0x3FB4]  }
0x2e: {  	s3 =	simm.s32 @!p0 $0x1082;
	s9 =	sld [smem:$0x3FB5]  }
0x2f: {  	lr =	sadd.s32 s0, s3;
	s0 =	sld [smem:$0x3FAC]  }
0x30: {  	s3 =	sld [smem:$0x3FAF]  }
0x31: {  	[smem:$0x3FB8] =	sst s10  }
0x32: {  	s10 =	sld [smem:$0x3FB6];
	_ =	sdelay $0x3  }
0x33: {  	p0 =	seq.s32 s10, $0x1;
	s10 =	sld [smem:$0x3FB8];
	_ =	sdelay $0x3  }
0x34: {  	[smem:$0x3FB8] =	sst s10  }
0x35: {  	s10 =	sld [smem:$0x3FB7];
	_ =	sdelay $0x3  }
0x36: {  	p1 =	seq.s32 s10, $0x1;
	s10 =	sld [smem:$0x3FB8];
	_ =	sdelay $0x3  }
0x37: {  	[smem:$0x3FB8] =	sst s10  }
0x38: {  	s10 =	sld [smem:$0x3FB9]  }
0x39: {  	_ = 	snop;
	(pc) =	sbr.ind lr, $3  }
0x3a: {  	_ = 	snop  }
0x3b: {  	_ = 	snop  }
0x3c: {  	p2 =	seq.s32 s10, $0x1;
	s10 =	sld [smem:$0x3FB8]  }
0x3d: {  	_ =	shalt  }
0x3e: {  	_ =	shalt  }
0x3f: {  	_ =	shalt  }
0x40: {  	_ =	shalt  }
0x41: {  	_ =	shalt  }
0x42: {  	_ =	shalt  }
0x43: {  	_ =	shalt  }
0x44: {  	_ =	shalt  }
0x45: {  	_ =	shalt  }
0x46: {  	_ =	shalt  }
0x47: {  	_ =	shalt  }
0x48: {  	_ =	shalt  }
0x49: {  	_ =	shalt  }
0x4a: {  	_ =	shalt  }
0x4b: {  	_ =	shalt  }
0x4c: {  	_ =	shalt  }
0x4d: {  	_ =	shalt  }
0x4e: {  	_ =	shalt  }
0x4f: {  	_ =	shalt  }
0x50: {  	_ =	shalt  }
0x51: {  	_ =	shalt  }
0x52: {  	_ =	shalt  }
0x53: {  	_ =	shalt  }
0x54: {  	_ =	shalt  }
0x55: {  	_ =	shalt  }
0x56: {  	_ =	shalt  }
0x57: {  	_ =	shalt  }
0x58: {  	_ =	shalt  }
0x59: {  	_ =	shalt  }
0x5a: {  	_ =	shalt  }
0x5b: {  	_ =	shalt  }
0x5c: {  	_ =	shalt  }
0x5d: {  	_ =	shalt  }
0x5e: {  	_ =	shalt  }
0x5f: {  	_ =	shalt  }
0x60: {  	_ =	shalt  }
0x61: {  	_ =	shalt  }
0x62: {  	_ =	shalt  }
0x63: {  	_ =	shalt  }
0x64: {  	_ =	shalt  }
0x65: {  	_ =	shalt  }
0x66: {  	_ =	shalt  }
0x67: {  	_ =	shalt  }
0x68: {  	_ =	shalt  }
0x69: {  	_ =	shalt  }
0x6a: {  	_ =	shalt  }
0x6b: {  	_ =	shalt  }
0x6c: {  	_ =	shalt  }
0x6d: {  	_ =	shalt  }
0x6e: {  	_ =	shalt  }
0x6f: {  	_ =	shalt  }
0x70: {  	_ =	shalt  }
0x71: {  	_ =	shalt  }
0x72: {  	_ =	shalt  }
0x73: {  	_ =	shalt  }
0x74: {  	_ =	shalt  }
0x75: {  	_ =	shalt  }
0x76: {  	_ =	shalt  }
0x77: {  	_ =	shalt  }
0x78: {  	_ =	shalt  }
0x79: {  	_ =	shalt  }
0x7a: {  	_ =	shalt  }
0x7b: {  	_ =	shalt  }
0x7c: {  	_ =	shalt  }
0x7d: {  	_ =	shalt  }
0x7e: {  	_ =	shalt  }
0x7f: {  	_ =	shalt  }
0x80: {  	_ =	shalt  }
0x81: {  	_ =	shalt  }
0x82: {  	_ =	shalt  }
0x83: {  	_ =	shalt  }
0x84: {  	_ =	shalt  }
0x85: {  	_ =	shalt  }
0x86: {  	_ =	shalt  }
0x87: {  	_ =	shalt  }
.Lfunc_end0:
.L_simem_size_0:
called_computation_lowered:
.L_overlay_start_0:
0x88: {  	s0 =	sld [smem:$0x3FD9]  }
0x89: {  	s1 =	sld [smem:$0x3FFE];
	_ =	sdelay $0x3  }
0x8a: {  	s0 =	sadd.s32 s1, s0  }
0x8b: {  	[smem:$0x3FC4] =	sst s0  }
0x8c: {  	_ = 	snop  }
0x8d: {  	s0 =	sld [smem:$0x3FC9]  }
0x8e: {  	s16 =	sld [smem:$0x3FC8]  }
0x8f: {  	s2 =	sld [smem:$0x3FC7]  }
0x90: {  	s3 =	sld [smem:$0x3FC6];
	(tm) =	ssettm $0x1  }
0x91: {  	s4 =	sld [smem:$0x3FFB];
	_ =	sdelay $0x3  }
0x92: {  	_ =	strace s4  }
0x93: {  	s4 =	sld [smem:$0x3FFC];
	_ =	sdelay $0x3  }
0x94: {  	_ =	strace s4  }
0x95: {  	s4 =	sld [smem:$0x3FFD];
	_ =	sdelay $0x3  }
0x96: {  	_ =	strace s4  }
0x97: {  	_ =	strace $0x8FFFFFFF  }
0x98: {  	s17 =	sld [smem:$0x3FDB];
	_ =	sdelay $0x1  }
0x99: {  	s5 =	simm.s32 $_scs_section_size  }
0x9a: {  	s6 =	simm.s32 $_size__tile_overlayer_lowered;
	s7 =	simm.s32 $_tile_overlayer_lowered  }
0x9b: {  	s20 =	simm.s32 $0x1BFF;
	s19 =	sshll.u32 s7, $0x1;
	s4 =	sadd.s32 s5, s17  }
0x9c: {  	s8 =	simm.s32 $0x0;
	s18 =	sshll.u32 s6, $0x1;
	s6 =	sadd.s32 s19, s4  }
0x9d: {  	[timem:s8], [sflag:s20] =	dma.local [hbm:s6], s18  }
0x9e: {  	_ =	swait.ge [sflag:s20], s18  }
0x9f: {  	s5 =	ssub.s32 $0x0, s18;
	[sflag:s20] =	ssyncset.done $0x0  }
0xa0: {  	[sflag:s20] =	ssyncadd.s32 s5;
	_ =	sdelay $0x1  }
0xa1: {  	s21 =	simm.s32 $0x1B8B  }
0xa2: {  	_ =	swait.ge [sflag:s21], $0x1  }
0xa3: {  	[sflag:s21] =	ssyncset.done $0x0  }
0xa4: {  	s23 =	simm.s32 $0x1B8E;
	s22 =	sld [smem:$0x3FFE];
	[sflag:s21] =	ssyncadd.s32 $0xFFFFFFFF  }
0xa5: {  	s24 =	simm.s32 $execute0_lowered;
	[smem:$0x3FD2] =	sst s23  }
0xa6: {  	s6 =	sshll.u32 s24, $0x1;
	_ =	strace $0x80000046;
	[dreg:$0x1] =	wrdreg $0xFFFFFFFF  }
0xa7: {  	s25 =	simm.s32 $_size_execute0_lowered;
	s4 =	sadd.s32 s4, s6;
	[dreg:$0x0] =	wrdreg $0x0  }
0xa8: {  	s6 =	sshll.u32 s25, $0x1;
	[dreg:$0x2] =	wrdreg s4  }
0xa9: {  	[dreg:$0x3] =	wrdreg s6  }
0xaa: {  	[dreg:$0x4] =	wrdreg $0xC0  }
0xab: {  	_ =	task [dreg:s8], $0x5FFFF  }
0xac: {  	[dreg:$0x1] =	wrdreg $0xFFFFFFFF  }
0xad: {  	[dreg:$0x0] =	wrdreg $0x60  }
0xae: {  	[dreg:$0x2] =	wrdreg s0  }
0xaf: {  	[dreg:$0x3] =	wrdreg s16  }
0xb0: {  	[dreg:$0x4] =	wrdreg s2  }
0xb1: {  	[dreg:$0x5] =	wrdreg s3  }
0xb2: {  	[dreg:$0x6] =	wrdreg s22  }
0xb3: {  	[dreg:$0x7] =	wrdreg $0x9  }
0xb4: {  	_ =	task.clear_ibuf [dreg:s8], $0x8FFFF;
	_ =	strace $0x90000046  }
0xb5: {  	s26 =	simm.s32 $0x9;
	_ =	strace $0x80000048  }
0xb6: {  	_ =	swait.ge [sflag:s26], $0x1  }
0xb7: {  	[sflag:s26] =	ssyncadd.s32 $0xFFFFFFFF  }
0xb8: {  	_ =	strace $0x90000048  }
0xb9: {  	_ =	sfence  }
0xba: {  	s28 =	sld [smem:$0x0];
	_ =	sdelay $0x1  }
0xbb: {  	s29 =	srdreg.scid  }
0xbc: {  	s30 =	sshll.u32 s29, $0xD;
	s31 =	sshrl.u32 s29, $0x2  }
0xbd: {  	s1 =	sand.u32 $0x1, s29;
	s2 =	sand.u32 $0x4000, s30;
	s0 =	sadd.s32 s31, s28  }
0xbe: {  	s1 =	sor.u32 s2, s1;
	s0 =	sshll.u32 s0, $0x11  }
0xbf: {  	s0 =	sor.u32 s0, s1  }
0xc0: {  	s0 =	sadd.s32 $0x8F2B, s0  }
0xc1: {  	[sflag:s0] =	ssyncadd.remote.s32 $0x1  }
0xc2: {  	_ =	sfence.sel $0xFFFF  }
0xc3: {  	[dreg:$0x0] =	wrdreg $0xFFFFFFFF;
	(pc) =	sbr.abs _section_cstart, $3  }
0xc4: {  	[dreg:$0x1] =	wrdreg $0xFFFFFFFF  }
0xc5: {  	_ =	task.clear_ibuf [dreg:s8], $0x2FFFF;
	_ =	strace $0x9FFFFFFF  }
0xc6: {  	(tm) =	ssettm $0x7FFFFFFF  }
0xc7: {  	_ =	shalt  }
tec
execute0_lowered:
.L_overlay_start_1:
0x0: {  	(tag) =	ssettag $0x1  }
0x1: {  	s3 =	rddreg [dreg:$0x0]  }
0x2: {  	s4 =	rddreg [dreg:$0x1]  }
0x3: {  	s5 =	rddreg [dreg:$0x2]  }
0x4: {  	s6 =	rddreg [dreg:$0x3];
	s0 =	stileid.u32  }
0x5: {  	s2 =	rddreg [dreg:$0x4];
	s7 =	smul.u32 $0xC000, s0  }
0x6: {  	s1 =	rddreg [dreg:$0x5];
	s8 =	simm.s32 $0x0;
	s9 =	smul.u32 $0x1800, s0  }
0x7: {  	[smem:$0x7FF] =	sst s8;
	s7 =	sshrl.u32 s7, $0x3  }
0x8: {  	_ =	strace $0x80000047;
	s9 =	sadd.s32 s3, s9;
	s3 =	sadd.s32 s3, s7  }
0x9: {  	[tilespmem:s8], [sflag:$0x1] =	stream.linear.gather [hbm4b:s9+s8], $0x6000, $0x38;
	[tilespmem:$0x18300] =	vst v63  }
0xa: {  	s24 =	simm.s32 $0x6000;
	s23 =	smul.u32 $0x30, s0;
	s3 =	sadd.s32 $0xC00, s3  }
0xb: {  	[tilespmem:s24], [sflag:$0x2] =	stream.linear.gather [hbm4b:s3+s8], $0x6000, $0x38;
	[tilespmem:$0x18300] =	vst v63  }
0xc: {  	s26 =	simm.s32 $0xC000;
	s25 =	sadd.s32 s4, s23  }
0xd: {  	[tilespmem:s26], [sflag:$0x3] =	stream.linear.gather [hbm4b:s25+s8], $0x180, $0x38;
	[tilespmem:$0x18300] =	vst v63  }
0xe: {  	s28 =	simm.s32 $0x18180  }
0xf: {  	[tilespmem:s28], [sflag:$0x3] =	stream.linear.gather [hbm4b:s5+s8], $0x80, $0x38;
	[tilespmem:$0x18300] =	vst v63  }
0x10: {  	s29 =	simm.s32 $0x18200;
	s30 =	simm.s32 $0x3  }
0x11: {  	[tilespmem:s29], [sflag:$0x3] =	stream.linear.gather [hbm4b:s6+s8], $0x80, $0x38;
	[tilespmem:$0x18300] =	vst v63  }
0x12: {  	_ =	swait.ge [sflag:s30], $0x180  }
0x13: {  	[sflag:s30] =	ssyncset.done $0x0  }
0x14: {  	[sflag:s30] =	ssyncadd.s32 $0xFFFFFE80  }
0x15: {  	_ =	swait.ge [sflag:s30], $0x80  }
0x16: {  	[sflag:s30] =	ssyncset.done $0x0  }
0x17: {  	[sflag:s30] =	ssyncadd.s32 $0xFFFFFF80  }
0x18: {  	_ =	swait.ge [sflag:s30], $0x80  }
0x19: {  	[sflag:s30] =	ssyncset.done $0x0  }
0x1a: {  	[sflag:s30] =	ssyncadd.s32 $0xFFFFFF80  }
0x1b: {  	v0 =	vld [tilespmem:$0x18180]  }
0x1c: {  	v2 =	vld [tilespmem:$0x181A0]  }
0x1d: {  	v3 =	vld [tilespmem:$0x181B0]  }
0x1e: {  	v4 =	vld [tilespmem:$0x181C0]  }
0x1f: {  	v5 =	vld [tilespmem:$0x181D0]  }
0x20: {  	v6 =	vld [tilespmem:$0x181E0]  }
0x21: {  	s31 =	simm.s32 $0x0;
	v7 =	vld [tilespmem:$0x181F0]  }
0x22: {  	v13 =	vld [tilespmem:s31+$0xC000]  }
0x23: {  	v8 =	vld [tilespmem:$0x18200]  }
0x24: {  	v9 =	vld [tilespmem:$0x18210]  }
0x25: {  	v10 =	vld [tilespmem:$0x18220]  }
0x26: {  	v11 =	vld [tilespmem:$0x18230]  }
0x27: {  	v12 =	vld [tilespmem:$0x18240];
	v16 =	vcvt.s32.f32 v13  }
0x28: {  	v15 =	vld [tilespmem:$0x18250]  }
0x29: {  	v14 =	vld [tilespmem:$0x18270];
	v17 =	vbroadcast v16, $0x0  }
0x2a: {  	s3 =	simm.s32 $0xC580;
	[tilespmem:$0x1FFE0] =	vst v0;
	v0 =	vld [tilespmem:$0x18190];
	v18 =	vbroadcast v16, $0x1  }
0x2b: {  	v13 =	vld [tilespmem:$0x18260];
	v19 =	vbroadcast v16, $0x2;
	[tilespmem:s3+$0xFFFFFC00] =	vst v17  }
0x2c: {  	v56 =	vbroadcast v16, $0x4;
	[tilespmem:s3+$0xFFFFFC80] =	vst v18  }
0x2d: {  	v57 =	vbroadcast v16, $0x5;
	[tilespmem:s3+$0xFFFFFD00] =	vst v19  }
0x2e: {  	v58 =	vbroadcast v16, $0x7;
	[tilespmem:s3+$0xFFFFFE00] =	vst v56  }
0x2f: {  	v59 =	vbroadcast v16, $0x8;
	[tilespmem:s3+$0xFFFFFE80] =	vst v57  }
0x30: {  	v60 =	vbroadcast v16, $0xA;
	[tilespmem:s3+$0xFFFFFF80] =	vst v58  }
0x31: {  	v61 =	vbroadcast v16, $0xB;
	[tilespmem:s3+$0x0] =	vst v59  }
0x32: {  	v17 =	vbroadcast v16, $0x3;
	[tilespmem:s3+$0x100] =	vst v60  }
0x33: {  	v62 =	vbroadcast v16, $0xD;
	[tilespmem:s3+$0x180] =	vst v61  }
0x34: {  	[tilespmem:s3+$0xFFFFFD80] =	vst v17;
	v17 =	vbroadcast v16, $0x6  }
0x35: {  	v63 =	vbroadcast v16, $0xE;
	[tilespmem:s3+$0x280] =	vst v62  }
0x36: {  	[tilespmem:s3+$0xFFFFFF00] =	vst v17;
	v17 =	vbroadcast v16, $0x9  }
0x37: {  	[tilespmem:s3+$0x300] =	vst v63  }
0x38: {  	[tilespmem:s3+$0x80] =	vst v17;
	v17 =	vbroadcast v16, $0xC  }
0x39: {  	[tilespmem:$0x1FFF0] =	vst v0;
	v16 =	vbroadcast v16, $0xF  }
0x3a: {  	[tilespmem:s3+$0x200] =	vst v17  }
0x3b: {  	s4 =	simm.s32 $0x80;
	s5 =	simm.s32 $0x10;
	[tilespmem:s3+$0x380] =	vst v16  }
.LBB2_1:
0x3c: {  	p0 =	sne.s32 s4, $0x5C0;
	v16 =	vld [tilespmem:s5+$0xC000];
	_ =	sdelay $0x4  }
0x3d: {  	v16 =	vcvt.s32.f32 v16;
	_ =	sdelay $0x1  }
0x3e: {  	v17 =	vbroadcast v16, $0x0;
	v18 =	vbroadcast v16, $0x1  }
0x3f: {  	s3 =	sadd.s32 $0x800, s3;
	v19 =	vbroadcast v16, $0x2;
	v20 =	vbroadcast v16, $0x3  }
0x40: {  	v21 =	vbroadcast v16, $0x5;
	[tilespmem:s3+$0xFFFFFC00] =	vst v17;
	v17 =	vbroadcast v16, $0x4  }
0x41: {  	v22 =	vbroadcast v16, $0x7;
	[tilespmem:s3+$0xFFFFFC80] =	vst v18;
	v18 =	vbroadcast v16, $0x6  }
0x42: {  	v23 =	vbroadcast v16, $0x9;
	[tilespmem:s3+$0xFFFFFD00] =	vst v19;
	v19 =	vbroadcast v16, $0x8  }
0x43: {  	v24 =	vbroadcast v16, $0xB;
	[tilespmem:s3+$0xFFFFFD80] =	vst v20;
	v20 =	vbroadcast v16, $0xA  }
0x44: {  	v25 =	vbroadcast v16, $0xD;
	[tilespmem:s3+$0xFFFFFE00] =	vst v17;
	v17 =	vbroadcast v16, $0xC  }
0x45: {  	[tilespmem:s3+$0xFFFFFE80] =	vst v21;
	v21 =	vbroadcast v16, $0xE;
	v16 =	vbroadcast v16, $0xF  }
0x46: {  	[tilespmem:s3+$0xFFFFFF00] =	vst v18  }
0x47: {  	[tilespmem:s3+$0xFFFFFF80] =	vst v22  }
0x48: {  	[tilespmem:s3+$0x0] =	vst v19  }
0x49: {  	[tilespmem:s3+$0x80] =	vst v23  }
0x4a: {  	[tilespmem:s3+$0x100] =	vst v20  }
.Ltmp0:
0x4b: {  	[tilespmem:s3+$0x180] =	vst v24;
	(pc) =	sbr.rel @p0 .LBB2_1-.Ltmp0, $4  }
0x4c: {  	[tilespmem:s3+$0x200] =	vst v17  }
0x4d: {  	[tilespmem:s3+$0x280] =	vst v25  }
0x4e: {  	[tilespmem:s3+$0x300] =	vst v21  }
0x4f: {  	s5 =	sshra.s32 s4, $0x2;
	s4 =	sadd.s32 $0x40, s4;
	[tilespmem:s3+$0x380] =	vst v16  }
0x50: {  	v16 =	vld [tilespmem:s5+$0xC000];
	_ =	sdelay $0x4  }
0x51: {  	v16 =	vcvt.s32.f32 v16;
	_ =	sdelay $0x1  }
0x52: {  	v17 =	vbroadcast v16, $0x0  }
0x53: {  	s3 =	sadd.s32 $0x800, s3;
	v18 =	vbroadcast v16, $0x1  }
0x54: {  	v19 =	vbroadcast v16, $0x2;
	[tilespmem:s3+$0xFFFFFC00] =	vst v17  }
0x55: {  	v17 =	vbroadcast v16, $0x3;
	[tilespmem:s3+$0xFFFFFC80] =	vst v18  }
0x56: {  	v18 =	vbroadcast v16, $0x4;
	[tilespmem:s3+$0xFFFFFD00] =	vst v19  }
0x57: {  	v19 =	vbroadcast v16, $0x5;
	[tilespmem:s3+$0xFFFFFD80] =	vst v17  }
0x58: {  	v17 =	vbroadcast v16, $0x6;
	[tilespmem:s3+$0xFFFFFE00] =	vst v18  }
0x59: {  	v18 =	vbroadcast v16, $0x7;
	[tilespmem:s3+$0xFFFFFE80] =	vst v19  }
0x5a: {  	v19 =	vbroadcast v16, $0x8;
	[tilespmem:s3+$0xFFFFFF00] =	vst v17  }
0x5b: {  	v17 =	vbroadcast v16, $0x9;
	[tilespmem:s3+$0xFFFFFF80] =	vst v18  }
0x5c: {  	v18 =	vbroadcast v16, $0xA;
	[tilespmem:s3+$0x0] =	vst v19  }
0x5d: {  	v19 =	vbroadcast v16, $0xB;
	[tilespmem:s3+$0x80] =	vst v17  }
0x5e: {  	v17 =	vbroadcast v16, $0xC;
	[tilespmem:s3+$0x100] =	vst v18  }
0x5f: {  	v18 =	vbroadcast v16, $0xD;
	[tilespmem:s3+$0x180] =	vst v19  }
0x60: {  	v19 =	vbroadcast v16, $0xE;
	[tilespmem:s3+$0x200] =	vst v17  }
0x61: {  	v16 =	vbroadcast v16, $0xF;
	[tilespmem:s3+$0x280] =	vst v18  }
0x62: {  	[tilespmem:s3+$0x300] =	vst v19  }
0x63: {  	s31 =	simm.s32 $0x1;
	[tilespmem:s3+$0x380] =	vst v16  }
0x64: {  	_ =	swait.ge [sflag:s31], $0x6000  }
0x65: {  	[sflag:s31] =	ssyncset.done $0x0;
	v0 =	vld [tilespmem:$0x1FFE0]  }
0x66: {  	s4 =	simm.s32 $0x100;
	v1 =	vld [tilespmem:$0x1FFF0];
	[sflag:s31] =	ssyncadd.s32 $0xFFFFA000  }
0x67: {  	v16 =	vld [tilespmem:s4+$0xE0]  }
0x68: {  	v17 =	vld [tilespmem:s4+$0xF0]  }
0x69: {  	v20 =	vld [tilespmem:s4+$0xC0]  }
0x6a: {  	v21 =	vld [tilespmem:s4+$0xD0]  }
0x6b: {  	v23 =	vld [tilespmem:s4+$0xA0]  }
0x6c: {  	s3 =	simm.s32 $0xC280;
	v26 =	vld [tilespmem:s4+$0xB0]  }
0x6d: {  	v24 =	vld [tilespmem:s3+$0x80]  }
0x6e: {  	v27 =	vld [tilespmem:s4+$0x80]  }
0x6f: {  	v29 =	vld [tilespmem:s4+$0x90]  }
0x70: {  	v30 =	vld [tilespmem:s4+$0x60]  }
0x71: {  	v32 =	vld [tilespmem:s4+$0x70]  }
0x72: {  	v34 =	vld [tilespmem:s4+$0x40]  }
0x73: {  	v36 =	vld [tilespmem:s4+$0x50]  }
0x74: {  	v37 =	vld [tilespmem:s4+$0x20]  }
0x75: {  	v10 =	vsub.f32 v10, v2;
	v46 =	vld [tilespmem:s3+$0x0]  }
0x76: {  	v11 =	vsub.f32 v11, v3;
	v12 =	vsub.f32 v12, v4;
	v38 =	vld [tilespmem:s4+$0xFFFFFFC0]  }
0x77: {  	v18 =	vsub.f32 v13, v6;
	v39 =	vld [tilespmem:s4+$0xFFFFFFA0];
	v8 =	vsub.f32 v8, v0  }
0x78: {  	v41 =	vld [tilespmem:s4+$0xFFFFFF40];
	v9 =	vsub.f32 v9, v1;
	v13 =	vmov v0;
	v0 =	vsub.f32 v14, v7  }
0x79: {  	v40 =	vimm.f32 $0.0e+00;
	v42 =	vld [tilespmem:s3+$0xFFFFFF00];
	v14 =	vmovc v1;
	v1 =	vsub.f32 v15, v5;
	v15 =	vsub.f32 v16, v6  }
0x7a: {  	v43 =	vld [tilespmem:s4+$0xFFFFFF00];
	v59 =	vmul.f32 v24, v18;
	v19 =	vsub.f32 v17, v7;
	v60 =	vmul.f32 v24, v0  }
0x7b: {  	v44 =	vld [tilespmem:s4+$0xFFFFFF10];
	v16 =	vsub.f32 v20, v4;
	v20 =	vmul.f32 v24, v12;
	v17 =	vsub.f32 v21, v5  }
0x7c: {  	v45 =	vld [tilespmem:s4+$0xFFFFFF20];
	v22 =	vsub.f32 v23, v2;
	v23 =	vmul.f32 v24, v10;
	v27 =	vsub.f32 v27, v13  }
0x7d: {  	v47 =	vld [tilespmem:s4+$0xFFFFFF30];
	v21 =	vmul.f32 v24, v1;
	v25 =	vsub.f32 v26, v3;
	v29 =	vsub.f32 v29, v14  }
0x7e: {  	v63 =	vld [tilespmem:s4+$0xFFFFFF50];
	v26 =	vmul.f32 v24, v11;
	v30 =	vsub.f32 v30, v6;
	v31 =	vsub.f32 v32, v7  }
0x7f: {  	v50 =	vld [tilespmem:s4+$0xFFFFFF60];
	v28 =	vmul.f32 v24, v8;
	v33 =	vsub.f32 v34, v4;
	v35 =	vsub.f32 v37, v2  }
0x80: {  	v53 =	vld [tilespmem:s4+$0xFFFFFF80];
	v24 =	vmul.f32 v24, v9;
	v34 =	vsub.f32 v36, v5;
	v48 =	vsub.f32 v38, v4  }
0x81: {  	v54 =	vld [tilespmem:s4+$0xFFFFFF70];
	v32 =	vmul.f32 v46, v18;
	v49 =	vsub.f32 v39, v2;
	v56 =	vsub.f32 v43, v13  }
0x82: {  	v41 =	vsub.f32 v41, v4;
	v57 =	vmul.f32 v42, v8;
	v44 =	vsub.f32 v44, v14  }
0x83: {  	v51 =	vmul.f32 v42, v9;
	v45 =	vsub.f32 v45, v2;
	v52 =	vmul.f32 v42, v10  }
0x84: {  	v47 =	vsub.f32 v47, v3;
	v58 =	vmul.f32 v42, v11;
	v55 =	vmul.f32 v42, v12  }
0x85: {  	v38 =	vsub.f32 v63, v5;
	v61 =	vmul.f32 v42, v1;
	v50 =	vsub.f32 v50, v6  }
0x86: {  	v36 =	vmul.f32 v46, v12;
	v53 =	vsub.f32 v53, v13;
	v54 =	vsub.f32 v54, v7  }
0x87: {  	v62 =	vld [tilespmem:s4+$0xFFFFFF90];
	v63 =	vmul.f32 v42, v18;
	v39 =	vsub.f32 v56, v57;
	v44 =	vsub.f32 v44, v51  }
0x88: {  	v42 =	vmul.f32 v42, v0;
	v37 =	vld [tilespmem:s4+$0xFFFFFFE0];
	v45 =	vsub.f32 v45, v52;
	v43 =	vsub.f32 v47, v58  }
0x89: {  	v51 =	vld [tilespmem:s3+$0xFFFFFF80];
	v41 =	vsub.f32 v41, v55;
	v52 =	vsub.f32 v38, v61;
	v38 =	vmul.f32 v46, v0  }
0x8a: {  	[tilespmem:$0x1FF00] =	vst v4;
	v4 =	vld [tilespmem:s4+$0xFFFFFFB0];
	v50 =	vsub.f32 v50, v63;
	v56 =	vmul.f32 v39, v39;
	v44 =	vmul.f32 v44, v44  }
0x8b: {  	v42 =	vsub.f32 v54, v42;
	v45 =	vmul.f32 v45, v45;
	v43 =	vmul.f32 v43, v43  }
0x8c: {  	v47 =	vsub.f32 v62, v14;
	v62 =	vld [tilespmem:s4+$0xFFFFFFD0];
	v41 =	vmul.f32 v41, v41;
	v52 =	vmul.f32 v52, v52  }
0x8d: {  	v50 =	vmul.f32 v50, v50;
	v42 =	vmul.f32 v42, v42;
	v37 =	vsub.f32 v37, v6  }
0x8e: {  	[tilespmem:$0x1FF10] =	vst v2;
	v2 =	vadd.f32 v56, v40;
	v40 =	vadd.f32 v44, v40;
	v61 =	vmul.f32 v51, v8  }
0x8f: {  	v44 =	vsub.f32 v4, v3;
	v63 =	vmul.f32 v51, v9;
	v4 =	vmul.f32 v51, v11  }
0x90: {  	[tilespmem:$0x1FF20] =	vst v12;
	v45 =	vadd.f32 v45, v2;
	v40 =	vadd.f32 v43, v40;
	v2 =	vmul.f32 v51, v10  }
0x91: {  	[tilespmem:$0x1FF30] =	vst v5;
	v43 =	vsub.f32 v62, v5;
	v62 =	vmul.f32 v51, v0;
	v53 =	vsub.f32 v53, v61  }
0x92: {  	[tilespmem:$0x1FF50] =	vst v6;
	v47 =	vsub.f32 v47, v63;
	v63 =	vmul.f32 v51, v12;
	v56 =	vsub.f32 v44, v4  }
0x93: {  	[tilespmem:$0x1FF60] =	vst v18;
	v5 =	vld [tilespmem:s4+$0x0];
	v4 =	vmul.f32 v51, v1;
	v61 =	vmul.f32 v51, v18;
	v41 =	vadd.f32 v41, v45  }
0x94: {  	[tilespmem:$0x1FF70] =	vst v7;
	v40 =	vadd.f32 v52, v40;
	v55 =	vsub.f32 v49, v2;
	v49 =	vld [tilespmem:s4+$0xFFFFFFF0];
	v45 =	vmul.f32 v46, v8  }
0x95: {  	[tilespmem:$0x1FF90] =	vst v10;
	v58 =	vld [tilespmem:s4+$0x10];
	v53 =	vmul.f32 v53, v53;
	v57 =	vsub.f32 v48, v63;
	v63 =	vmul.f32 v46, v1  }
0x96: {  	[tilespmem:$0x1FFA0] =	vst v3;
	v2 =	vld [tilespmem:s4+$0x30];
	v47 =	vmul.f32 v47, v47;
	v48 =	vsub.f32 v43, v4;
	v41 =	vadd.f32 v50, v41  }
0x97: {  	[tilespmem:$0x1FFB0] =	vst v11;
	v52 =	vsub.f32 v37, v61;
	v43 =	vmul.f32 v46, v11;
	v42 =	vadd.f32 v42, v40  }
0x98: {  	[tilespmem:$0x1FF40] =	vst v1;
	v54 =	vmul.f32 v55, v55;
	v44 =	vsub.f32 v5, v13;
	v50 =	vadd.f32 v53, v41  }
0x99: {  	[tilespmem:$0x1FF80] =	vst v0;
	v55 =	vmul.f32 v56, v56;
	v51 =	vadd.f32 v47, v42;
	v49 =	vsub.f32 v49, v7  }
0x9a: {  	[tilespmem:$0x1FFC0] =	vst v8;
	v42 =	vmul.f32 v46, v10;
	v47 =	vmul.f32 v46, v9;
	v46 =	vsub.f32 v58, v14  }
0x9b: {  	s5 =	simm.s32 $0x300;
	[tilespmem:$0x1FFD0] =	vst v9;
	s4 =	simm.s32 $0x0;
	v53 =	vmul.f32 v57, v57;
	v41 =	vsub.f32 v2, v3;
	v49 =	vsub.f32 v49, v62  }
.LBB2_3:
0x9c: {  	v56 =	vld [tilespmem:s5+$0xE0]  }
0x9d: {  	v5 =	vld [tilespmem:s5+$0xF0]  }
0x9e: {  	v8 =	vsub.f32 v46, v47;
	v46 =	vld [tilespmem:s5+$0xC0]  }
0x9f: {  	v61 =	vld [tilespmem:s5+$0x70]  }
0xa0: {  	v62 =	vld [tilespmem:s5+$0x40]  }
0xa1: {  	v41 =	vsub.f32 v41, v43;
	v43 =	vld [tilespmem:s5+$0x30]  }
0xa2: {  	v7 =	vld [tilespmem:s5+$0xFFFFFFD0]  }
0xa3: {  	s3 =	sadd.s32 $0x200, s3;
	v12 =	vld [tilespmem:$0x1FF90]  }
0xa4: {  	v39 =	vld [tilespmem:s3+$0x80]  }
0xa5: {  	v57 =	vsub.f32 v31, v38;
	v47 =	vld [tilespmem:s3+$0x0]  }
0xa6: {  	v44 =	vsub.f32 v44, v45;
	v50 =	vadd.f32 v54, v50;
	v45 =	vmul.f32 v8, v8;
	v8 =	vld [tilespmem:$0x1FF60]  }
0xa7: {  	v51 =	vadd.f32 v55, v51;
	v55 =	vsub.f32 v30, v32;
	v32 =	vmul.f32 v57, v57;
	v57 =	vld [tilespmem:s5+$0xFFFFFFB0]  }
0xa8: {  	v9 =	vadd.f32 v53, v50;
	v50 =	vld [tilespmem:s5+$0xD0]  }
0xa9: {  	v48 =	vmul.f32 v48, v48;
	v37 =	vsub.f32 v35, v42;
	v42 =	vld [tilespmem:s5+$0xA0]  }
0xaa: {  	v20 =	vsub.f32 v16, v20;
	v16 =	vsub.f32 v15, v59;
	v15 =	vld [tilespmem:$0x1FF80]  }
0xab: {  	v49 =	vmul.f32 v49, v49;
	v48 =	vadd.f32 v48, v51;
	v59 =	vld [tilespmem:s5+$0xFFFFFF90]  }
0xac: {  	v52 =	vmul.f32 v52, v52;
	v21 =	vsub.f32 v17, v21;
	v17 =	vsub.f32 v19, v60;
	v60 =	vld [tilespmem:s5+$0xFFFFFF60]  }
0xad: {  	v11 =	vadd.f32 v49, v48;
	v48 =	vld [tilespmem:s5+$0xB0]  }
0xae: {  	v10 =	vadd.f32 v52, v9;
	v52 =	vsub.f32 v34, v63;
	v34 =	vld [tilespmem:s5+$0x90]  }
0xaf: {  	v51 =	vsub.f32 v33, v36;
	v49 =	vld [tilespmem:s5+$0x10]  }
0xb0: {  	v44 =	vmul.f32 v44, v44;
	v9 =	vld [tilespmem:$0x1FF20]  }
0xb1: {  	v35 =	vmul.f32 v51, v51;
	v51 =	vld [tilespmem:s5+$0xFFFFFFE0]  }
0xb2: {  	v37 =	vmul.f32 v37, v37;
	v40 =	vadd.f32 v44, v10;
	v44 =	vld [tilespmem:s5+$0x80]  }
0xb3: {  	v41 =	vmul.f32 v41, v41;
	v53 =	vadd.f32 v45, v11;
	v45 =	vld [tilespmem:s5+$0x0]  }
0xb4: {  	v36 =	vmul.f32 v52, v52;
	v52 =	vld [tilespmem:s5+$0xFFFFFFF0];
	v37 =	vadd.f32 v37, v40  }
0xb5: {  	v29 =	vsub.f32 v29, v24;
	v10 =	vld [tilespmem:$0x1FFC0];
	v58 =	vadd.f32 v41, v53  }
0xb6: {  	v33 =	vmul.f32 v55, v55;
	v28 =	vsub.f32 v27, v28;
	v11 =	vld [tilespmem:$0x1FFD0];
	v30 =	vadd.f32 v35, v37  }
0xb7: {  	v24 =	vsub.f32 v22, v23;
	v40 =	vld [tilespmem:s5+$0x60];
	v31 =	vadd.f32 v36, v58  }
0xb8: {  	v25 =	vsub.f32 v25, v26;
	v28 =	vmul.f32 v28, v28;
	v53 =	vld [tilespmem:s5+$0xFFFFFFC0];
	v26 =	vadd.f32 v33, v30  }
0xb9: {  	v29 =	vmul.f32 v29, v29;
	v58 =	vld [tilespmem:s5+$0xFFFFFF80];
	v27 =	vadd.f32 v32, v31  }
0xba: {  	v24 =	vmul.f32 v24, v24;
	v25 =	vmul.f32 v25, v25;
	v22 =	vadd.f32 v28, v26;
	v26 =	vld [tilespmem:$0x1FF10]  }
0xbb: {  	v38 =	vmovc v13;
	v20 =	vmul.f32 v20, v20;
	v23 =	vadd.f32 v29, v27;
	v27 =	vsub.f32 v44, v13;
	v13 =	vld [tilespmem:$0x1FFF0]  }
0xbc: {  	v21 =	vmul.f32 v21, v21;
	v54 =	vmul.f32 v39, v12;
	v37 =	vld [tilespmem:s5+$0x20]  }
0xbd: {  	v0 =	vmul.f32 v39, v8;
	v18 =	vadd.f32 v24, v22;
	v19 =	vadd.f32 v25, v23;
	v24 =	vld [tilespmem:$0x1FF70]  }
0xbe: {  	v4 =	vmul.f32 v39, v15;
	v44 =	vsub.f32 v45, v38;
	v58 =	vsub.f32 v58, v38;
	v25 =	vld [tilespmem:$0x1FF00]  }
0xbf: {  	v36 =	vld [tilespmem:s5+$0x50];
	v23 =	vmul.f32 v17, v17;
	v20 =	vadd.f32 v20, v18;
	v21 =	vadd.f32 v21, v19  }
0xc0: {  	v55 =	vmul.f32 v39, v9;
	v18 =	vld [tilespmem:$0x1FF50];
	v2 =	vsub.f32 v42, v26;
	v29 =	vsub.f32 v34, v13  }
0xc1: {  	v22 =	vmul.f32 v16, v16;
	v35 =	vsub.f32 v37, v26;
	v6 =	vadd.f32 v23, v21;
	v23 =	vld [tilespmem:$0x1FF30]  }
0xc2: {  	v3 =	vmul.f32 v39, v10;
	v59 =	vsub.f32 v59, v13;
	v21 =	vld [tilespmem:$0x1FF40];
	v63 =	vsub.f32 v5, v24  }
0xc3: {  	v45 =	vmul.f32 v47, v10;
	v5 =	vadd.f32 v22, v20;
	v32 =	vsub.f32 v46, v25;
	v22 =	vld [tilespmem:$0x1FFA0]  }
0xc4: {  	v34 =	vmul.f32 v47, v9;
	v20 =	vld [tilespmem:$0x1FFB0];
	v31 =	vsub.f32 v61, v24;
	v46 =	vsub.f32 v49, v13  }
0xc5: {  	[tilespmem:$0x1FE90] =	vst v0;
	v42 =	vmul.f32 v47, v12;
	v61 =	vld [tilespmem:s5+$0xFFFFFF70];
	v53 =	vsub.f32 v53, v25;
	v14 =	vsub.f32 v56, v18  }
0xc6: {  	[tilespmem:$0x1FEB0] =	vst v32;
	v30 =	vsub.f32 v40, v18;
	v32 =	vmul.f32 v47, v8;
	v37 =	vsub.f32 v51, v18;
	v51 =	vld [tilespmem:s3+$0xFFFFFF00]  }
0xc7: {  	[tilespmem:$0x1FE50] =	vst v5;
	v40 =	vmul.f32 v47, v15;
	v5 =	vld [tilespmem:s5+$0xFFFFFF10];
	v60 =	vsub.f32 v60, v18;
	v33 =	vsub.f32 v50, v23  }
0xc8: {  	[tilespmem:$0x1FEE0] =	vst v34;
	v28 =	vmul.f32 v39, v21;
	v34 =	vsub.f32 v36, v23;
	v36 =	vsub.f32 v52, v24;
	v52 =	vld [tilespmem:s5+$0xFFFFFF00]  }
0xc9: {  	[tilespmem:$0x1FE80] =	vst v63;
	v63 =	vmul.f32 v47, v21;
	v56 =	vsub.f32 v7, v23;
	v0 =	vsub.f32 v48, v22;
	v48 =	vld [tilespmem:s3+$0xFFFFFF80]  }
0xca: {  	v49 =	vld [tilespmem:s5+$0xFFFFFF20];
	v1 =	vmul.f32 v39, v20;
	v39 =	vmul.f32 v39, v11;
	v41 =	vsub.f32 v43, v22  }
0xcb: {  	[tilespmem:$0x1FE70] =	vst v4;
	v18 =	vld [tilespmem:s5+$0xFFFFFF50];
	v43 =	vmul.f32 v47, v20;
	v47 =	vmul.f32 v47, v11;
	v57 =	vsub.f32 v57, v22  }
0xcc: {  	v7 =	vld [tilespmem:s5+$0xFFFFFF30];
	[tilespmem:$0x1FEA0] =	vst v33;
	v33 =	vsub.f32 v62, v25;
	v19 =	vmul.f32 v51, v8;
	v5 =	vsub.f32 v5, v13  }
0xcd: {  	[tilespmem:$0x1FED0] =	vst v35;
	v62 =	vld [tilespmem:s5+$0xFFFFFF40];
	v13 =	vmovc v38;
	v52 =	vsub.f32 v52, v38;
	v38 =	vmov v40;
	v40 =	vmul.f32 v51, v20  }
0xce: {  	v50 =	vld [tilespmem:s5+$0xFFFFFFA0];
	[tilespmem:$0x1FEC0] =	vst v37;
	v61 =	vsub.f32 v61, v24;
	v35 =	vmul.f32 v48, v8;
	v37 =	vmul.f32 v48, v15  }
0xcf: {  	[tilespmem:$0x1FEF0] =	vst v3;
	v49 =	vsub.f32 v49, v26;
	v3 =	vmul.f32 v48, v9;
	v4 =	vmul.f32 v48, v21  }
0xd0: {  	[tilespmem:$0x1FE60] =	vst v6;
	v18 =	vsub.f32 v18, v23;
	v6 =	vmul.f32 v48, v12;
	v16 =	vmul.f32 v48, v10  }
0xd1: {  	v7 =	vsub.f32 v7, v22;
	v17 =	vmul.f32 v48, v20;
	v48 =	vmul.f32 v48, v11  }
0xd2: {  	v8 =	vmul.f32 v51, v15;
	v9 =	vmul.f32 v51, v9;
	v62 =	vsub.f32 v62, v25  }
0xd3: {  	v50 =	vsub.f32 v50, v26;
	v10 =	vmul.f32 v51, v10;
	v11 =	vmul.f32 v51, v11;
	v20 =	vmovc v55;
	v55 =	vld [tilespmem:$0x1FE50]  }
0xd4: {  	v12 =	vmul.f32 v51, v12;
	v7 =	vsub.f32 v7, v40;
	v9 =	vsub.f32 v62, v9;
	v62 =	vld [tilespmem:$0x1FE60]  }
0xd5: {  	v10 =	vsub.f32 v52, v10;
	v5 =	vsub.f32 v5, v11  }
0xd6: {  	v12 =	vsub.f32 v49, v12;
	v52 =	vmul.f32 v51, v21;
	v8 =	vsub.f32 v61, v8  }
0xd7: {  	v6 =	vsub.f32 v50, v6;
	v10 =	vmul.f32 v10, v10;
	v5 =	vmul.f32 v5, v5  }
0xd8: {  	v23 =	vmovc v54;
	v49 =	vsub.f32 v36, v37;
	v54 =	vmul.f32 v12, v12;
	v12 =	vsub.f32 v18, v52  }
0xd9: {  	v36 =	vld [tilespmem:$0x1FEE0];
	v7 =	vmul.f32 v7, v7;
	v10 =	vadd.f32 v10, v55;
	v5 =	vadd.f32 v5, v62  }
0xda: {  	v21 =	vmovc v28;
	v3 =	vsub.f32 v53, v3;
	v28 =	vld [tilespmem:$0x1FEF0];
	v18 =	vsub.f32 v60, v19;
	v9 =	vmul.f32 v9, v9  }
0xdb: {  	s4 =	sadd.s32 $0x4, s4;
	v26 =	vmovc v1;
	v1 =	vmul.f32 v12, v12;
	v10 =	vadd.f32 v54, v10;
	v62 =	vld [tilespmem:$0x1FEC0];
	v5 =	vadd.f32 v7, v5  }
0xdc: {  	p0 =	slt.u32 s4, $0xBC;
	v24 =	vmovc v39;
	v60 =	vld [tilespmem:$0x1FE70];
	v39 =	vmul.f32 v8, v8;
	v12 =	vsub.f32 v58, v16;
	v16 =	vsub.f32 v59, v48  }
.Ltmp1:
0xdd: {  	v22 =	vmovc v2;
	v19 =	vld [tilespmem:$0x1FE80];
	v2 =	vmul.f32 v18, v18;
	v9 =	vadd.f32 v9, v10;
	v5 =	vadd.f32 v1, v5;
	(pc) =	sbr.rel @p0 .LBB2_3-.Ltmp1, $4  }
0xde: {  	v53 =	vmul.f32 v3, v3;
	v59 =	vld [tilespmem:$0x1FE90];
	v58 =	vsub.f32 v57, v17;
	v40 =	vmul.f32 v12, v12  }
0xdf: {  	v17 =	vld [tilespmem:$0x1FEA0];
	v61 =	vmul.f32 v16, v16;
	v9 =	vadd.f32 v2, v9;
	v5 =	vadd.f32 v39, v5  }
0xe0: {  	v15 =	vmovc v14;
	v48 =	vsub.f32 v56, v4;
	v16 =	vld [tilespmem:$0x1FEB0];
	v54 =	vmul.f32 v6, v6;
	v52 =	vsub.f32 v62, v35  }
0xe1: {  	s5 =	sadd.s32 $0x200, s5;
	v25 =	vmovc v0;
	v55 =	vmul.f32 v58, v58;
	v35 =	vld [tilespmem:$0x1FED0];
	v50 =	vadd.f32 v40, v9;
	v51 =	vadd.f32 v61, v5  }
0xe2: {  	s3 =	simm.s32 $0x2  }
0xe3: {  	_ =	swait.ge [sflag:s3], $0x6000  }
0xe4: {  	v11 =	vsub.f32 v22, v23;
	v22 =	vld [tilespmem:$0x1FF50]  }
0xe5: {  	v4 =	vsub.f32 v44, v45;
	v44 =	vld [tilespmem:$0x1FF60]  }
0xe6: {  	v45 =	vld [tilespmem:$0x1FF80]  }
0xe7: {  	v23 =	vld [tilespmem:$0x1FF00]  }
0xe8: {  	v18 =	vsub.f32 v15, v59;
	v15 =	vld [tilespmem:$0x1FF20]  }
0xe9: {  	v17 =	vsub.f32 v17, v21;
	v21 =	vld [tilespmem:$0x1FF30]  }
0xea: {  	v10 =	vsub.f32 v29, v24;
	v24 =	vld [tilespmem:$0x1FF10]  }
0xeb: {  	v14 =	vld [tilespmem:$0x1FFF0]  }
0xec: {  	v0 =	vadd.f32 v54, v50;
	[sflag:s3] =	ssyncset.done $0x0;
	v50 =	vmul.f32 v18, v18;
	v18 =	vld [tilespmem:$0x1FF90]  }
0xed: {  	s4 =	simm.s32 $0x6100;
	[sflag:s3] =	ssyncadd.s32 $0xFFFFA000;
	v16 =	vsub.f32 v16, v20;
	v20 =	vld [tilespmem:$0x1FFA0]  }
0xee: {  	v58 =	vld [tilespmem:s4+$0xE0]  }
0xef: {  	v61 =	vld [tilespmem:s4+$0xF0]  }
0xf0: {  	v56 =	vsub.f32 v34, v63;
	v8 =	vsub.f32 v31, v38;
	v63 =	vld [tilespmem:s4+$0xC0]  }
0xf1: {  	v3 =	vmul.f32 v52, v52;
	v52 =	vsub.f32 v41, v43;
	v41 =	vld [tilespmem:s4+$0xD0]  }
0xf2: {  	v5 =	vsub.f32 v46, v47;
	v12 =	vsub.f32 v25, v26;
	v46 =	vmul.f32 v8, v8;
	s3 =	simm.s32 $0x12180;
	v8 =	vld [tilespmem:s4+$0xA0]  }
0xf3: {  	v47 =	vmul.f32 v10, v10;
	v10 =	vld [tilespmem:s3+$0x180]  }
0xf4: {  	v2 =	vmul.f32 v48, v48;
	v1 =	vadd.f32 v55, v51;
	v48 =	vmul.f32 v12, v12;
	v12 =	vld [tilespmem:s4+$0x90]  }
0xf5: {  	v7 =	vsub.f32 v30, v32;
	v9 =	vsub.f32 v27, v28;
	v51 =	vmul.f32 v49, v49;
	v30 =	vld [tilespmem:s4+$0x70]  }
0xf6: {  	v4 =	vmul.f32 v4, v4;
	v0 =	vadd.f32 v53, v0;
	v1 =	vadd.f32 v2, v1;
	v31 =	vld [tilespmem:s4+$0x40]  }
0xf7: {  	v57 =	vmul.f32 v52, v52;
	v62 =	vmul.f32 v56, v56;
	v6 =	vsub.f32 v35, v42;
	v52 =	vld [tilespmem:s4+$0x50]  }
0xf8: {  	v53 =	vmul.f32 v5, v5;
	v40 =	vld [tilespmem:s4+$0xFFFFFF40];
	v0 =	vadd.f32 v3, v0;
	v1 =	vadd.f32 v51, v1  }
0xf9: {  	v19 =	vsub.f32 v19, v60;
	v7 =	vmul.f32 v7, v7;
	v49 =	vmul.f32 v17, v17;
	v42 =	vld [tilespmem:s4+$0xFFFFFF10]  }
0xfa: {  	v17 =	vld [tilespmem:$0x1FFD0];
	v54 =	vmul.f32 v6, v6;
	v0 =	vadd.f32 v4, v0;
	v1 =	vadd.f32 v53, v1  }
0xfb: {  	v55 =	vsub.f32 v33, v36;
	v9 =	vmul.f32 v9, v9;
	v11 =	vmul.f32 v11, v11;
	v3 =	vld [tilespmem:s3+$0x0]  }
0xfc: {  	v51 =	vmul.f32 v19, v19;
	v19 =	vld [tilespmem:$0x1FFB0];
	v0 =	vadd.f32 v54, v0;
	v1 =	vadd.f32 v57, v1  }
0xfd: {  	v16 =	vmul.f32 v16, v16;
	v53 =	vld [tilespmem:s4+$0x20];
	v56 =	vsub.f32 v58, v22;
	v58 =	vsub.f32 v63, v23  }
0xfe: {  	v6 =	vmul.f32 v55, v55;
	v60 =	vsub.f32 v41, v21;
	v41 =	vld [tilespmem:s4+$0xFFFFFF00];
	v25 =	vsub.f32 v8, v24  }
0xff: {  	v26 =	vmul.f32 v10, v44;
	v43 =	vsub.f32 v12, v14;
	v8 =	vld [tilespmem:s3+$0x100];
	v31 =	vsub.f32 v31, v23  }
0x100: {  	v57 =	vmul.f32 v10, v45;
	v2 =	vsub.f32 v40, v23;
	v12 =	vld [tilespmem:s4+$0xFFFFFFA0];
	v0 =	vadd.f32 v6, v0  }
0x101: {  	v5 =	vsub.f32 v42, v14;
	v40 =	vld [tilespmem:s4+$0xFFFFFF60];
	v55 =	vmul.f32 v3, v17;
	v1 =	vadd.f32 v62, v1  }
0x102: {  	v42 =	vld [tilespmem:s4+$0x30];
	v39 =	vmul.f32 v3, v15;
	v34 =	vsub.f32 v53, v24;
	v0 =	vadd.f32 v7, v0  }
0x103: {  	v59 =	vmul.f32 v10, v15;
	v5 =	vsub.f32 v5, v55;
	v7 =	vld [tilespmem:s4+$0xB0];
	v1 =	vadd.f32 v46, v1  }
0x104: {  	v37 =	vmul.f32 v10, v19;
	v2 =	vsub.f32 v2, v39;
	v0 =	vadd.f32 v9, v0;
	v9 =	vld [tilespmem:s4+$0x80]  }
0x105: {  	v33 =	vmul.f32 v3, v18;
	v4 =	vsub.f32 v41, v13;
	v1 =	vadd.f32 v47, v1;
	v47 =	vld [tilespmem:$0x1FF70]  }
0x106: {  	v62 =	vmul.f32 v10, v18;
	v46 =	vld [tilespmem:$0x1FF40];
	v12 =	vsub.f32 v12, v24;
	v40 =	vsub.f32 v40, v22  }
0x107: {  	v35 =	vmul.f32 v8, v44;
	v0 =	vadd.f32 v11, v0;
	v11 =	vld [tilespmem:s4+$0x60];
	v1 =	vadd.f32 v48, v1  }
0x108: {  	v5 =	vmul.f32 v5, v5;
	v42 =	vsub.f32 v42, v20;
	v48 =	vld [tilespmem:s4+$0xFFFFFF20];
	v63 =	vsub.f32 v7, v20  }
0x109: {  	v53 =	vld [tilespmem:s4+$0xFFFFFFC0];
	v36 =	vmul.f32 v8, v15;
	v0 =	vadd.f32 v16, v0;
	v1 =	vadd.f32 v49, v1  }
0x10a: {  	v2 =	vmul.f32 v2, v2;
	v16 =	vld [tilespmem:$0x1FFC0];
	v27 =	vsub.f32 v61, v47;
	v29 =	vsub.f32 v9, v13  }
0x10b: {  	[tilespmem:$0x1FE20] =	vst v43;
	v43 =	vmul.f32 v8, v19;
	v49 =	vsub.f32 v30, v47;
	v0 =	vadd.f32 v50, v0;
	v50 =	vld [tilespmem:s4+$0xFFFFFF30]  }
0x10c: {  	v61 =	vmul.f32 v10, v46;
	v1 =	vadd.f32 v51, v1;
	v51 =	vsub.f32 v52, v21;
	v52 =	vld [tilespmem:s4+$0xFFFFFF50]  }
0x10d: {  	v30 =	vmul.f32 v10, v17;
	v32 =	vsub.f32 v11, v22;
	[tilespmem:$0x1FE30] =	vst v49;
	v6 =	vsub.f32 v48, v24;
	v49 =	vld [tilespmem:s4+$0xFFFFFF80]  }
0x10e: {  	v48 =	vmul.f32 v3, v19;
	v11 =	vld [tilespmem:s3+$0x80];
	[tilespmem:$0x1FE40] =	vst v51;
	v51 =	vmul.f32 v3, v46;
	v1 =	vadd.f32 v5, v1  }
0x10f: {  	v28 =	vmul.f32 v10, v16;
	v54 =	vmul.f32 v3, v16;
	v6 =	vsub.f32 v6, v33  }
0x110: {  	v10 =	vsub.f32 v53, v23;
	v53 =	vmul.f32 v3, v44;
	v3 =	vmul.f32 v3, v45  }
0x111: {  	v33 =	vmul.f32 v8, v45;
	v7 =	vsub.f32 v50, v20;
	v4 =	vsub.f32 v4, v54;
	v50 =	vld [tilespmem:s4+$0xFFFFFF70]  }
0x112: {  	v9 =	vsub.f32 v52, v21;
	v52 =	vld [tilespmem:s4+$0xFFFFFF90];
	v6 =	vmul.f32 v6, v6;
	v41 =	vsub.f32 v49, v13  }
0x113: {  	v54 =	vld [tilespmem:s4+$0xFFFFFFB0];
	v55 =	vmul.f32 v11, v16;
	v7 =	vsub.f32 v7, v48;
	v4 =	vmul.f32 v4, v4  }
0x114: {  	v49 =	vmul.f32 v11, v17;
	v9 =	vsub.f32 v9, v51;
	v51 =	vmul.f32 v11, v19  }
0x115: {  	v0 =	vadd.f32 v4, v0;
	v7 =	vmul.f32 v7, v7;
	v4 =	vsub.f32 v40, v53  }
0x116: {  	v40 =	vsub.f32 v41, v55;
	v9 =	vmul.f32 v9, v9;
	v53 =	vmul.f32 v11, v15  }
0x117: {  	v41 =	vmul.f32 v8, v18;
	v38 =	vsub.f32 v50, v47;
	v23 =	vsub.f32 v52, v14  }
0x118: {  	v48 =	vld [tilespmem:s4+$0xFFFFFFD0];
	v50 =	vmul.f32 v11, v18;
	v5 =	vsub.f32 v54, v20;
	v54 =	vmul.f32 v11, v46  }
0x119: {  	v0 =	vadd.f32 v6, v0;
	v1 =	vadd.f32 v7, v1;
	v4 =	vmul.f32 v4, v4  }
0x11a: {  	v52 =	vld [tilespmem:s4+$0xFFFFFFE0];
	v55 =	vmul.f32 v40, v40;
	v40 =	vmul.f32 v8, v46;
	v3 =	vsub.f32 v38, v3  }
0x11b: {  	v46 =	vmul.f32 v11, v44;
	v7 =	vsub.f32 v23, v49;
	v23 =	vld [tilespmem:s4+$0x0];
	v0 =	vadd.f32 v2, v0  }
0x11c: {  	v11 =	vmul.f32 v11, v45;
	v1 =	vadd.f32 v9, v1;
	v9 =	vsub.f32 v12, v50;
	v12 =	vld [tilespmem:s4+$0xFFFFFFF0]  }
0x11d: {  	v45 =	vmul.f32 v8, v16;
	v5 =	vsub.f32 v5, v51;
	v6 =	vsub.f32 v48, v21;
	v38 =	vld [tilespmem:s4+$0x10]  }
0x11e: {  	v21 =	vsub.f32 v10, v53;
	v3 =	vmul.f32 v3, v3;
	v0 =	vadd.f32 v4, v0  }
0x11f: {  	v7 =	vmul.f32 v7, v7;
	v48 =	vsub.f32 v6, v54;
	v2 =	vsub.f32 v52, v22  }
0x120: {  	v53 =	vmul.f32 v21, v21;
	v1 =	vadd.f32 v3, v1;
	v50 =	vadd.f32 v55, v0  }
0x121: {  	v54 =	vmul.f32 v9, v9;
	v52 =	vsub.f32 v2, v46;
	v47 =	vsub.f32 v12, v47  }
0x122: {  	v44 =	vsub.f32 v23, v13;
	v46 =	vsub.f32 v38, v14;
	v55 =	vmul.f32 v5, v5  }
0x123: {  	s5 =	simm.s32 $0x6300;
	s4 =	simm.s32 $0x0;
	v51 =	vadd.f32 v7, v1;
	v49 =	vsub.f32 v47, v11;
	v47 =	vmul.f32 v8, v17  }
.LBB2_5:
0x124: {  	v0 =	vld [tilespmem:s5+$0xE0]  }
0x125: {  	v4 =	vld [tilespmem:s5+$0xF0]  }
0x126: {  	v8 =	vld [tilespmem:s5+$0xC0]  }
0x127: {  	v9 =	vld [tilespmem:s5+$0xD0]  }
0x128: {  	v12 =	vld [tilespmem:s5+$0xA0]  }
0x129: {  	v15 =	vld [tilespmem:$0x1FE40]  }
0x12a: {  	v24 =	vsub.f32 v25, v62;
	v62 =	vld [tilespmem:$0x1FF60]  }
0x12b: {  	s3 =	sadd.s32 $0x200, s3;
	v25 =	vsub.f32 v63, v37;
	v63 =	vld [tilespmem:$0x1FF80]  }
0x12c: {  	v18 =	vsub.f32 v31, v36;
	v36 =	vld [tilespmem:s3+$0x180]  }
0x12d: {  	v10 =	vsub.f32 v34, v41;
	v34 =	vld [tilespmem:s5+$0x70]  }
0x12e: {  	v11 =	vsub.f32 v42, v43;
	v42 =	vld [tilespmem:s5+$0x30]  }
0x12f: {  	v7 =	vsub.f32 v46, v47;
	v47 =	vld [tilespmem:s3+$0x100]  }
0x130: {  	v6 =	vsub.f32 v44, v45;
	v44 =	vld [tilespmem:s5+$0x0]  }
0x131: {  	v46 =	vld [tilespmem:s5+$0x10]  }
0x132: {  	v3 =	vmul.f32 v48, v48;
	v48 =	vld [tilespmem:s5+$0xFFFFFFE0]  }
0x133: {  	v1 =	vadd.f32 v54, v50;
	v50 =	vld [tilespmem:s5+$0xFFFFFF00]  }
0x134: {  	v41 =	vmul.f32 v25, v25;
	v25 =	vld [tilespmem:$0x1FF10]  }
0x135: {  	v2 =	vadd.f32 v55, v51;
	v54 =	vmul.f32 v7, v7;
	v7 =	vld [tilespmem:s5+$0x60]  }
0x136: {  	v1 =	vadd.f32 v53, v1;
	v53 =	vmul.f32 v49, v49;
	v49 =	vld [tilespmem:s5+$0xFFFFFFF0]  }
0x137: {  	v21 =	vsub.f32 v32, v35;
	v5 =	vmul.f32 v52, v52;
	v2 =	vadd.f32 v3, v2;
	v3 =	vld [tilespmem:s5+$0xFFFFFFD0]  }
0x138: {  	v55 =	vmul.f32 v10, v10;
	v10 =	vmul.f32 v18, v18;
	v18 =	vld [tilespmem:$0x1FFD0]  }
0x139: {  	v20 =	vmul.f32 v11, v11;
	v11 =	vmul.f32 v21, v21;
	v21 =	vsub.f32 v60, v61;
	v61 =	vld [tilespmem:$0x1FF50]  }
0x13a: {  	v1 =	vadd.f32 v5, v1;
	v5 =	vld [tilespmem:s5+$0xB0]  }
0x13b: {  	v16 =	vsub.f32 v56, v26;
	v19 =	vsub.f32 v15, v40;
	v15 =	vld [tilespmem:$0x1FE30]  }
0x13c: {  	v40 =	vld [tilespmem:s5+$0x50]  }
0x13d: {  	v17 =	vsub.f32 v27, v57;
	v45 =	vmul.f32 v16, v16;
	v16 =	vld [tilespmem:$0x1FF20]  }
0x13e: {  	v6 =	vmul.f32 v6, v6;
	v43 =	vmul.f32 v21, v21;
	v21 =	vld [tilespmem:$0x1FFA0]  }
0x13f: {  	v28 =	vsub.f32 v29, v28;
	v2 =	vadd.f32 v53, v2;
	v52 =	vmul.f32 v17, v17;
	v17 =	vld [tilespmem:$0x1FFC0]  }
0x140: {  	v44 =	vsub.f32 v44, v13;
	v1 =	vadd.f32 v6, v1;
	v6 =	vld [tilespmem:s5+$0x80]  }
0x141: {  	v46 =	vsub.f32 v46, v14;
	v50 =	vsub.f32 v50, v13;
	v23 =	vmul.f32 v19, v19;
	v19 =	vld [tilespmem:$0x1FF90]  }
0x142: {  	v28 =	vmul.f32 v28, v28;
	v2 =	vadd.f32 v54, v2;
	v32 =	vsub.f32 v7, v61;
	v7 =	vld [tilespmem:s5+$0xFFFFFF90]  }
0x143: {  	v24 =	vmul.f32 v24, v24;
	v1 =	vadd.f32 v55, v1;
	v22 =	vsub.f32 v15, v33;
	v15 =	vld [tilespmem:$0x1FE20]  }
0x144: {  	v53 =	vmul.f32 v36, v62;
	v2 =	vadd.f32 v20, v2;
	v20 =	vsub.f32 v58, v59;
	v33 =	vld [tilespmem:s5+$0x90]  }
0x145: {  	v35 =	vmul.f32 v47, v62;
	v0 =	vsub.f32 v0, v61;
	v1 =	vadd.f32 v10, v1;
	v10 =	vld [tilespmem:s5+$0x40]  }
0x146: {  	v55 =	vmul.f32 v36, v63;
	v2 =	vadd.f32 v23, v2;
	v20 =	vmul.f32 v20, v20;
	v23 =	vld [tilespmem:$0x1FF70]  }
0x147: {  	[tilespmem:$0x1FDE0] =	vst v0;
	v0 =	vld [tilespmem:s5+$0xFFFFFFC0];
	v26 =	vsub.f32 v5, v21;
	v42 =	vsub.f32 v42, v21;
	v38 =	vmul.f32 v22, v22  }
0x148: {  	v56 =	vmul.f32 v36, v16;
	v5 =	vld [tilespmem:s3+$0x80];
	v1 =	vadd.f32 v11, v1;
	v29 =	vsub.f32 v15, v30  }
0x149: {  	v22 =	vld [tilespmem:$0x1FF30];
	v27 =	vmul.f32 v36, v19;
	v2 =	vadd.f32 v38, v2;
	v38 =	vsub.f32 v12, v25  }
0x14a: {  	v11 =	vld [tilespmem:s5+$0x20];
	v7 =	vsub.f32 v7, v14;
	v1 =	vadd.f32 v28, v1;
	v39 =	vmul.f32 v29, v29  }
0x14b: {  	v12 =	vld [tilespmem:s5+$0xFFFFFF20];
	v28 =	vmul.f32 v36, v17;
	v58 =	vsub.f32 v33, v14;
	v54 =	vsub.f32 v4, v23  }
0x14c: {  	v15 =	vld [tilespmem:$0x1FFB0];
	v30 =	vmul.f32 v36, v18;
	v59 =	vsub.f32 v34, v23;
	v2 =	vadd.f32 v39, v2  }
0x14d: {  	v33 =	vmul.f32 v47, v63;
	v4 =	vld [tilespmem:s5+$0xFFFFFFA0];
	v49 =	vsub.f32 v49, v23;
	v1 =	vadd.f32 v24, v1  }
0x14e: {  	[tilespmem:$0x1FDC0] =	vst v56;
	v56 =	vmul.f32 v5, v62;
	v24 =	vld [tilespmem:$0x1FF00];
	v57 =	vsub.f32 v9, v22;
	v2 =	vadd.f32 v41, v2  }
0x14f: {  	v51 =	vmul.f32 v5, v16;
	v29 =	vsub.f32 v6, v13;
	v6 =	vld [tilespmem:s5+$0xFFFFFF80];
	v60 =	vsub.f32 v40, v22  }
0x150: {  	[tilespmem:$0x1FE10] =	vst v55;
	v55 =	vmul.f32 v5, v19;
	v9 =	vld [tilespmem:s5+$0xFFFFFF60];
	v3 =	vsub.f32 v3, v22;
	v2 =	vadd.f32 v43, v2  }
0x151: {  	[tilespmem:$0x1FE30] =	vst v59;
	v34 =	vsub.f32 v11, v25;
	v59 =	vmul.f32 v5, v17;
	v1 =	vadd.f32 v20, v1;
	v20 =	vld [tilespmem:$0x1FF40]  }
0x152: {  	[tilespmem:$0x1FDD0] =	vst v57;
	v57 =	vmul.f32 v5, v63;
	v2 =	vadd.f32 v52, v2;
	v52 =	vsub.f32 v48, v61;
	v48 =	vld [tilespmem:s3+$0x0]  }
0x153: {  	[tilespmem:$0x1FDF0] =	vst v54;
	v11 =	vld [tilespmem:s5+$0xFFFFFF40];
	v12 =	vsub.f32 v12, v25;
	v37 =	vmul.f32 v36, v15;
	v1 =	vadd.f32 v45, v1  }
0x154: {  	v54 =	vld [tilespmem:s5+$0xFFFFFF10];
	[tilespmem:$0x1FE40] =	vst v60;
	v60 =	vmul.f32 v5, v15;
	v4 =	vsub.f32 v4, v25;
	v49 =	vsub.f32 v49, v57  }
0x155: {  	v41 =	vmul.f32 v47, v19;
	v31 =	vsub.f32 v10, v24;
	v10 =	vld [tilespmem:s5+$0xFFFFFF70];
	v0 =	vsub.f32 v0, v24  }
0x156: {  	v6 =	vsub.f32 v6, v13;
	v9 =	vsub.f32 v9, v61;
	v39 =	vmul.f32 v36, v20;
	v61 =	vld [tilespmem:s5+$0xFFFFFF50]  }
0x157: {  	[tilespmem:$0x1FDB0] =	vst v1;
	v1 =	vsub.f32 v8, v24;
	v8 =	vld [tilespmem:s5+$0xFFFFFFB0];
	v36 =	vmul.f32 v47, v16;
	v62 =	vmul.f32 v48, v62  }
0x158: {  	[tilespmem:$0x1FE20] =	vst v58;
	v58 =	vld [tilespmem:s5+$0xFFFFFF30];
	v11 =	vsub.f32 v11, v24;
	v63 =	vmul.f32 v48, v63;
	v16 =	vmul.f32 v48, v16  }
0x159: {  	v25 =	vmovc v38;
	v54 =	vsub.f32 v54, v14;
	v13 =	vmul.f32 v48, v17;
	v38 =	vmul.f32 v48, v19  }
0x15a: {  	v10 =	vsub.f32 v10, v23;
	v14 =	vmul.f32 v48, v18;
	v23 =	vmul.f32 v48, v15  }
0x15b: {  	v48 =	vmul.f32 v48, v20;
	v12 =	vsub.f32 v12, v38;
	v38 =	vsub.f32 v61, v22  }
0x15c: {  	v45 =	vmul.f32 v47, v17;
	v4 =	vsub.f32 v4, v55;
	v8 =	vsub.f32 v8, v21  }
0x15d: {  	v43 =	vmul.f32 v47, v15;
	v21 =	vsub.f32 v58, v21;
	v61 =	vmovc v39;
	v39 =	vsub.f32 v38, v48;
	v48 =	vld [tilespmem:$0x1FDB0]  }
0x15e: {  	v40 =	vmul.f32 v47, v20;
	v13 =	vsub.f32 v50, v13;
	v14 =	vsub.f32 v54, v14  }
0x15f: {  	[tilespmem:$0x1FE00] =	vst v53;
	v53 =	vmul.f32 v5, v20;
	v5 =	vmul.f32 v5, v18;
	v6 =	vsub.f32 v6, v59  }
0x160: {  	v50 =	vsub.f32 v21, v23;
	v13 =	vmul.f32 v13, v13;
	v14 =	vmul.f32 v14, v14  }
0x161: {  	v5 =	vsub.f32 v7, v5;
	v11 =	vsub.f32 v11, v16;
	v12 =	vmul.f32 v12, v12  }
0x162: {  	v58 =	vmovc v1;
	v2 =	vadd.f32 v14, v2;
	v1 =	vadd.f32 v13, v48;
	v13 =	vmul.f32 v50, v50  }
0x163: {  	v57 =	vld [tilespmem:$0x1FE10];
	v9 =	vsub.f32 v9, v62;
	v10 =	vsub.f32 v10, v63;
	v11 =	vmul.f32 v11, v11  }
0x164: {  	s4 =	sadd.s32 $0x4, s4;
	v59 =	vld [tilespmem:$0x1FDC0];
	v1 =	vadd.f32 v12, v1;
	v2 =	vadd.f32 v13, v2;
	v12 =	vmul.f32 v39, v39  }
0x165: {  	p0 =	slt.u32 s4, $0xBC;
	v52 =	vsub.f32 v52, v56;
	v56 =	vld [tilespmem:$0x1FDE0];
	v8 =	vsub.f32 v8, v60;
	v9 =	vmul.f32 v9, v9  }
.Ltmp2:
0x166: {  	v60 =	vld [tilespmem:$0x1FDD0];
	v54 =	vmul.f32 v10, v10;
	v1 =	vadd.f32 v11, v1;
	v2 =	vadd.f32 v12, v2;
	(pc) =	sbr.rel @p0 .LBB2_5-.Ltmp2, $4  }
0x167: {  	v47 =	vmul.f32 v47, v18;
	v0 =	vsub.f32 v0, v51;
	v6 =	vmul.f32 v6, v6;
	v62 =	vmovc v27;
	v27 =	vld [tilespmem:$0x1FDF0]  }
0x168: {  	v5 =	vmul.f32 v5, v5;
	v63 =	vmovc v26;
	v26 =	vld [tilespmem:$0x1FE00];
	v1 =	vadd.f32 v9, v1;
	v2 =	vadd.f32 v54, v2  }
0x169: {  	v55 =	vmul.f32 v8, v8;
	v14 =	vld [tilespmem:$0x1FFF0];
	v48 =	vsub.f32 v3, v53;
	v53 =	vmul.f32 v0, v0  }
0x16a: {  	s5 =	sadd.s32 $0x200, s5;
	v13 =	vld [tilespmem:$0x1FFE0];
	v54 =	vmul.f32 v4, v4;
	v50 =	vadd.f32 v6, v1;
	v51 =	vadd.f32 v5, v2  }
0x16b: {  	v4 =	vsub.f32 v44, v45  }
0x16c: {  	v2 =	vmul.f32 v48, v48;
	v38 =	vld [tilespmem:$0x1FE40];
	v0 =	vadd.f32 v54, v50;
	v1 =	vadd.f32 v55, v51  }
0x16d: {  	v3 =	vmul.f32 v52, v52;
	v5 =	vsub.f32 v46, v47;
	v7 =	vsub.f32 v42, v43  }
0x16e: {  	v23 =	vmul.f32 v49, v49;
	v42 =	vld [tilespmem:$0x1FE30];
	v0 =	vadd.f32 v53, v0;
	v1 =	vadd.f32 v2, v1  }
0x16f: {  	v6 =	vsub.f32 v34, v41;
	v4 =	vmul.f32 v4, v4  }
0x170: {  	v46 =	vld [tilespmem:$0x1FE20];
	v24 =	vmul.f32 v5, v5;
	v0 =	vadd.f32 v3, v0;
	v1 =	vadd.f32 v23, v1  }
0x171: {  	v36 =	vsub.f32 v31, v36;
	v34 =	vmul.f32 v6, v6;
	v6 =	vsub.f32 v38, v40  }
0x172: {  	v39 =	vmul.f32 v7, v7;
	v0 =	vadd.f32 v4, v0;
	v1 =	vadd.f32 v24, v1  }
0x173: {  	v41 =	vsub.f32 v32, v35;
	v40 =	vmul.f32 v36, v36;
	v7 =	vsub.f32 v42, v33  }
0x174: {  	v43 =	vmul.f32 v6, v6;
	v0 =	vadd.f32 v34, v0;
	v1 =	vadd.f32 v39, v1  }
0x175: {  	v45 =	vsub.f32 v29, v28;
	v44 =	vmul.f32 v41, v41;
	v6 =	vsub.f32 v46, v30  }
0x176: {  	v47 =	vmul.f32 v7, v7;
	v0 =	vadd.f32 v40, v0;
	v1 =	vadd.f32 v43, v1  }
0x177: {  	v49 =	vsub.f32 v25, v62;
	v50 =	vsub.f32 v63, v37;
	v48 =	vmul.f32 v45, v45  }
0x178: {  	v51 =	vmul.f32 v6, v6;
	v0 =	vadd.f32 v44, v0;
	v1 =	vadd.f32 v47, v1  }
0x179: {  	v54 =	vsub.f32 v60, v61;
	v52 =	vmul.f32 v49, v49;
	v53 =	vsub.f32 v58, v59  }
0x17a: {  	v55 =	vmul.f32 v50, v50;
	v0 =	vadd.f32 v48, v0;
	v1 =	vadd.f32 v51, v1  }
0x17b: {  	v60 =	vsub.f32 v27, v57;
	v59 =	vsub.f32 v56, v26;
	v61 =	vmul.f32 v54, v54  }
0x17c: {  	v58 =	vmul.f32 v53, v53;
	v0 =	vadd.f32 v52, v0;
	v1 =	vadd.f32 v55, v1  }
0x17d: {  	v63 =	vmul.f32 v60, v60  }
0x17e: {  	v62 =	vmul.f32 v59, v59;
	v0 =	vadd.f32 v58, v0;
	v1 =	vadd.f32 v61, v1;
	_ =	sdelay $0x1  }
0x17f: {  	v0 =	vadd.f32 v62, v0;
	v1 =	vadd.f32 v63, v1;
	_ =	sdelay $0x1  }
0x180: {  	v0 =	vadd.f32 v1, v0;
	_ =	sdelay $0x1  }
0x181: {  	v0 =	vmul.f32 $3.051757810e-05, v0  }
0x182: {  	s3 =	sshll.u32 s0, $0x4;
	s30 =	simm.s32 $0x0  }
0x183: {  	s4 =	simm.s32 $0x18280;
	s31 =	simm.s32 $0x4;
	s2 =	sadd.s32 s2, s3;
	[tilespmem:$0x18280] =	vst v0  }
0x184: {  	[hbm4b:s2+s30] =	stream.linear.scatter [tilespmem:s4], [sflag:$0x4], $0x80, $0x38;
	[tilespmem:$0x18300] =	vst v63  }
0x185: {  	_ =	swait.ge [sflag:s31], $0x80  }
0x186: {  	[sflag:s31] =	ssyncset.done $0x0  }
0x187: {  	[sflag:s31] =	ssyncadd.s32 $0xFFFFFF80  }
0x188: {  	_ =	sfence.sel $0x180000  }
0x189: {  	[bflag:$0x0] =	sbarrier.arrive $0xFFFF  }
0x18a: {  	p0 =	sne.s32 s0, $0x0;
	_ =	strace $0x90000047  }
0x18b: {  	s0 =	sadd.s32 @!p0 $0x100000, s1;
	[bflag:$0x2] =	sbarrier.arrive $0xFFFF  }
0x18c: {  	[sflag:s0] =	ssyncadd.tile.s32 @!p0 $0x1;
	_ =	shalt  }
.Lfunc_end2:
_tile_overlayer_lowered:
.L_overlay_start_2:
0x18d: {  	(tag) =	ssettag $0x2  }
0x18e: {  	s0 =	rddreg [dreg:$0x0];
	s2 =	stileid.u32  }
0x18f: {  	s1 =	rddreg [dreg:$0x1];
	p0 =	sne.s32 s2, $0x0  }
0x190: {  	s3 =	rddreg [dreg:$0x2];
	[bflag:$0x3] =	sbarrier.arrive $0xFFFF;
	s2 =	simm.s32 @!p0 $0x1C04  }
0x191: {  	[timem:s3], [sflag:s2] =	dma.local @!p0 [hbm:s0], s1  }
0x192: {  	s0 =	simm.s32 @!p0 $0x4  }
0x193: {  	_ =	swait.ge @!p0 [sflag:s0], s1  }
0x194: {  	s1 =	ssub.s32 @!p0 $0x0, s1;
	[sflag:s0] =	ssyncset.done @!p0 $0x0  }
0x195: {  	[sflag:s0] =	ssyncadd.s32 @!p0 s1  }
0x196: {  	[bflag:$0x3] =	sbarrier.arrive $0xFFFF  }
0x197: {  	_ =	shalt  }

</sc_bundles>
